<compile_context>
chip_gen: v7x
topology: tpu7x:2x2x1
jax: 0.10.2.dev20260603
libtpu: 0.0.44.dev20260713+nightly
codegen_flags: <defaults>
</compile_context>

<pallas_src>
import functools

import jax
import jax.numpy as jnp
from jax import lax
from jax.experimental import pallas as pl
from jax.experimental.pallas import tpu as pltpu
from jax.experimental.pallas import tpu_sc as plsc


def _make_sc_gather(B, V, D, chunk):
    info = plsc.get_sparse_core_info()
    nc, ns = info.num_cores, info.num_subcores
    nw = nc * ns
    assert B % nw == 0
    b_per_w = B // nw
    assert b_per_w % chunk == 0
    n_chunks = b_per_w // chunk
    mesh = plsc.VectorSubcoreMesh(core_axis_name="c", subcore_axis_name="s")

    @functools.partial(
        pl.kernel,
        mesh=mesh,
        compiler_params=pltpu.CompilerParams(use_tc_tiling_on_sc=False),
        out_type=jax.ShapeDtypeStruct((B, D), jnp.float32),
        scratch_types=[
            pltpu.VMEM_SHARED((V, D), jnp.float32),
            pltpu.VMEM((chunk,), jnp.int32),
            pltpu.VMEM((chunk,), jnp.int32),
            pltpu.VMEM((chunk, D), jnp.float32),
            pltpu.VMEM((chunk, D), jnp.float32),
            pltpu.SemaphoreType.DMA,
            pltpu.SemaphoreType.DMA,
            pltpu.SemaphoreType.DMA,
            pltpu.SemaphoreType.DMA,
        ],
    )
    def gather_kernel(idx_hbm, table_hbm, out_hbm,
                      table_sh, idx0, idx1, rows0, rows1, sg0, sg1, so0, so1):
        sid = lax.axis_index("s")
        wid = sid * nc + lax.axis_index("c")
        base = wid * b_per_w

        @pl.when(sid == 0)
        def _():
            pltpu.sync_copy(table_hbm, table_sh)

        plsc.subcore_barrier()

        idx_v = (idx0, idx1)
        rows_v = (rows0, rows1)
        sg = (sg0, sg1)
        so = (so0, so1)
        gathers = [None, None]
        stores = [None, None]
        for i in range(n_chunks):
            b = i & 1
            if stores[b] is not None:
                stores[b].wait()
            off = base + i * chunk
            pltpu.sync_copy(idx_hbm.at[pl.ds(off, chunk)], idx_v[b])
            gathers[b] = pltpu.async_copy(
                table_sh.at[idx_v[b]], rows_v[b], sg[b])
            if i >= 1:
                pb = 1 - b
                gathers[pb].wait()
                stores[pb] = pltpu.async_copy(
                    rows_v[pb],
                    out_hbm.at[pl.ds(base + (i - 1) * chunk, chunk)],
                    so[pb])
        lb = (n_chunks - 1) & 1
        gathers[lb].wait()
        stores[lb] = pltpu.async_copy(
            rows_v[lb],
            out_hbm.at[pl.ds(base + (n_chunks - 1) * chunk, chunk)],
            so[lb])
        if stores[1 - lb] is not None:
            stores[1 - lb].wait()
        stores[lb].wait()

    return gather_kernel


def kernel(indices, position_emb):
    bsz, hist = indices.shape
    v, d = position_emb.shape
    flat_idx = indices.reshape(bsz * hist)
    fn = _make_sc_gather(bsz * hist, v, d, 1600)
    out = fn(flat_idx, position_emb)
    return out.reshape(bsz, hist, d)

# --- scband reference (transcript-rebuilt; emitter-appended) ---
"""Pipeline reference for scband-rposition-emb-23313082483256 (READ-ONLY COPY).

The authoritative reference and input builder live on the scoring server;
editing this copy changes nothing except your own understanding.
"""

import jax, jax.numpy as jnp
import numpy as np

MAX_SEQ_LEN = 4096
REL_DIS_DIM = 32
BATCH = 4096
HIST_LEN = 200


def setup_inputs(seed: int = 0) -> dict:
    key = jax.random.key(seed)
    k1, k2 = jax.random.split(key)
    num_rows = 2 * MAX_SEQ_LEN  # init_random over np.arange(-max_seq_len, max_seq_len)
    scale = float(np.sqrt(3.0 / REL_DIS_DIM))
    position_emb = jax.random.uniform(
        k1, (num_rows, REL_DIS_DIM), minval=-scale, maxval=scale, dtype=jnp.float32
    )
    indices = jax.random.randint(k2, (BATCH, HIST_LEN), 0, num_rows, dtype=jnp.int32)
    return {"indices": indices, "position_emb": position_emb}


def reference(indices, position_emb):
    # Embedding lookup of relative-position distances into the learned table.
    # Faithful to RPositionEmb: position_emb[position2index[dist]] gathers rows
    # of the (2*max_seq_len, relative_dis_dim) table for each token position.
    return jnp.take(position_emb, indices, axis=0)

if __name__ == "__main__":
    import jax
    _d = setup_inputs()
    print(jax.jit(kernel)(*tuple(_d.values())))

</pallas_src>

<mosaic_0001>
#map = affine_map<(d0, d1) -> (0)>
#map1 = affine_map<(d0, d1) -> (0, 0)>
module attributes {stable_mosaic.version = 14 : i64} {
  func.func @gather_kernel(%arg0: i32, %arg1: i32, %arg2: memref<819200xi32, #tpu.memory_space<hbm>>, %arg3: memref<8192x32xf32, #tpu.memory_space<hbm>>, %arg4: memref<819200x32xf32, #tpu.memory_space<hbm>>, %arg5: memref<8192x32xf32, #tpu.memory_space<vmem_shared>>, %arg6: memref<1600xi32, #tpu.memory_space<vmem>>, %arg7: memref<1600xi32, #tpu.memory_space<vmem>>, %arg8: memref<1600x32xf32, #tpu.memory_space<vmem>>, %arg9: memref<1600x32xf32, #tpu.memory_space<vmem>>, %arg10: memref<!tpu.dma_semaphore, #tpu.memory_space<semaphore_mem>>, %arg11: memref<!tpu.dma_semaphore, #tpu.memory_space<semaphore_mem>>, %arg12: memref<!tpu.dma_semaphore, #tpu.memory_space<semaphore_mem>>, %arg13: memref<!tpu.dma_semaphore, #tpu.memory_space<semaphore_mem>>) attributes {dimension_semantics = [#tpu.dimension_semantics<core_parallel>, #tpu.dimension_semantics<subcore_parallel>], iteration_bounds = array<i64: 2, 16>, scalar_prefetch = 0 : i64, scratch_operands = 9 : i64, tpu.core_type = #tpu.core_type<sc_vector_subcore>, window_params = [{transform_indices = #map}, {transform_indices = #map1}, {transform_indices = #map1}]} {
    %mul3A = arith.constant 2 : i32
    %mul3A_0 = arith.muli %arg1, %mul3A : i32
    %add3A = arith.addi %mul3A_0, %arg0 : i32
    %mul3A_1 = arith.constant 25600 : i32
    %mul3A_2 = arith.muli %add3A, %mul3A_1 : i32
    %eq3A = arith.constant 0 : i32
    %eq3A_3 = arith.cmpi eq, %arg1, %eq3A : i32
    %convert_element_type3A = arith.extui %eq3A_3 : i1 to i32
    %cond3A = arith.constant 0 : i32
    %cond3A_4 = arith.cmpi ne, %convert_element_type3A, %cond3A : i32
    scf.if %cond3A_4 {
      "tpu.region"() ({
        %run_scoped3A = tpu.sem_alloc : memref<!tpu.dma_semaphore, #tpu.memory_space<semaphore_mem>>
        tpu.enqueue_dma source(%arg3 : memref<8192x32xf32, #tpu.memory_space<hbm>>) target(%arg5 : memref<8192x32xf32, #tpu.memory_space<vmem_shared>>) target_semaphore(%run_scoped3A : memref<!tpu.dma_semaphore, #tpu.memory_space<semaphore_mem>>)
        tpu.wait_dma2 semaphore(%run_scoped3A : memref<!tpu.dma_semaphore, #tpu.memory_space<semaphore_mem>>) src(%arg3 : memref<8192x32xf32, #tpu.memory_space<hbm>>) dst(%arg5 : memref<8192x32xf32, #tpu.memory_space<vmem_shared>>)
        tpu.yield
      }) : () -> ()
    } else {
    }
    %barrier3A = arith.constant 0 : index
    tpu.barrier barrier_id(%barrier3A)
    %add3A_5 = arith.constant 0 : i32
    %add3A_6 = arith.addi %mul3A_2, %add3A_5 : i32
    "tpu.region"() ({
      %run_scoped3A = tpu.sem_alloc : memref<!tpu.dma_semaphore, #tpu.memory_space<semaphore_mem>>
      %dma_start3A_291 = tpu.memref_slice %arg2[%add3A_6] : memref<819200xi32, #tpu.memory_space<hbm>> -> memref<1600xi32, #tpu.memory_space<hbm>>
      %dma_start3A_292 = tpu.memref_slice %arg2[%add3A_6] : memref<819200xi32, #tpu.memory_space<hbm>> -> memref<1600xi32, #tpu.memory_space<hbm>>
      tpu.enqueue_dma source(%dma_start3A_292 : memref<1600xi32, #tpu.memory_space<hbm>>) target(%arg6 : memref<1600xi32, #tpu.memory_space<vmem>>) target_semaphore(%run_scoped3A : memref<!tpu.dma_semaphore, #tpu.memory_space<semaphore_mem>>)
      %dma_wait3A_293 = tpu.memref_slice %arg2[%add3A_6] : memref<819200xi32, #tpu.memory_space<hbm>> -> memref<1600xi32, #tpu.memory_space<hbm>>
      %dma_wait3A_294 = tpu.memref_slice %arg2[%add3A_6] : memref<819200xi32, #tpu.memory_space<hbm>> -> memref<1600xi32, #tpu.memory_space<hbm>>
      tpu.wait_dma2 semaphore(%run_scoped3A : memref<!tpu.dma_semaphore, #tpu.memory_space<semaphore_mem>>) src(%dma_wait3A_294 : memref<1600xi32, #tpu.memory_space<hbm>>) dst(%arg6 : memref<1600xi32, #tpu.memory_space<vmem>>)
      tpu.yield
    }) : () -> ()
    %dma_start3A = arith.constant 0 : i32
    %dma_start3A_7 = arith.constant 0 : i32
    %dma_start3A_8 = tpu.memref_slice %arg5[%dma_start3A, %dma_start3A_7] : memref<8192x32xf32, #tpu.memory_space<vmem_shared>> -> memref<8192x32xf32, #tpu.memory_space<vmem_shared>>
    tpu.enqueue_indirect_dma source(%dma_start3A_8 : memref<8192x32xf32, #tpu.memory_space<vmem_shared>>) target(%arg8 : memref<1600x32xf32, #tpu.memory_space<vmem>>) offsets(%arg6 : memref<1600xi32, #tpu.memory_space<vmem>>) semaphore(%arg10 : memref<!tpu.dma_semaphore, #tpu.memory_space<semaphore_mem>>)
    %add3A_9 = arith.constant 1600 : i32
    %add3A_10 = arith.addi %mul3A_2, %add3A_9 : i32
    "tpu.region"() ({
      %run_scoped3A = tpu.sem_alloc : memref<!tpu.dma_semaphore, #tpu.memory_space<semaphore_mem>>
      %dma_start3A_291 = tpu.memref_slice %arg2[%add3A_10] : memref<819200xi32, #tpu.memory_space<hbm>> -> memref<1600xi32, #tpu.memory_space<hbm>>
      %dma_start3A_292 = tpu.memref_slice %arg2[%add3A_10] : memref<819200xi32, #tpu.memory_space<hbm>> -> memref<1600xi32, #tpu.memory_space<hbm>>
      tpu.enqueue_dma source(%dma_start3A_292 : memref<1600xi32, #tpu.memory_space<hbm>>) target(%arg7 : memref<1600xi32, #tpu.memory_space<vmem>>) target_semaphore(%run_scoped3A : memref<!tpu.dma_semaphore, #tpu.memory_space<semaphore_mem>>)
      %dma_wait3A_293 = tpu.memref_slice %arg2[%add3A_10] : memref<819200xi32, #tpu.memory_space<hbm>> -> memref<1600xi32, #tpu.memory_space<hbm>>
      %dma_wait3A_294 = tpu.memref_slice %arg2[%add3A_10] : memref<819200xi32, #tpu.memory_space<hbm>> -> memref<1600xi32, #tpu.memory_space<hbm>>
      tpu.wait_dma2 semaphore(%run_scoped3A : memref<!tpu.dma_semaphore, #tpu.memory_space<semaphore_mem>>) src(%dma_wait3A_294 : memref<1600xi32, #tpu.memory_space<hbm>>) dst(%arg7 : memref<1600xi32, #tpu.memory_space<vmem>>)
      tpu.yield
    }) : () -> ()
    %dma_start3A_11 = arith.constant 0 : i32
    %dma_start3A_12 = arith.constant 0 : i32
    %dma_start3A_13 = tpu.memref_slice %arg5[%dma_start3A_11, %dma_start3A_12] : memref<8192x32xf32, #tpu.memory_space<vmem_shared>> -> memref<8192x32xf32, #tpu.memory_space<vmem_shared>>
    tpu.enqueue_indirect_dma source(%dma_start3A_13 : memref<8192x32xf32, #tpu.memory_space<vmem_shared>>) target(%arg9 : memref<1600x32xf32, #tpu.memory_space<vmem>>) offsets(%arg7 : memref<1600xi32, #tpu.memory_space<vmem>>) semaphore(%arg11 : memref<!tpu.dma_semaphore, #tpu.memory_space<semaphore_mem>>)
    %dma_wait3A = arith.constant 0 : i32
    %dma_wait3A_14 = arith.constant 0 : i32
    %dma_wait3A_15 = tpu.memref_slice %arg5[%dma_wait3A, %dma_wait3A_14] : memref<8192x32xf32, #tpu.memory_space<vmem_shared>> -> memref<8192x32xf32, #tpu.memory_space<vmem_shared>>
    tpu.wait_indirect_dma semaphore(%arg10 : memref<!tpu.dma_semaphore, #tpu.memory_space<semaphore_mem>>) src(%dma_wait3A_15 : memref<8192x32xf32, #tpu.memory_space<vmem_shared>>) dst(%arg8 : memref<1600x32xf32, #tpu.memory_space<vmem>>)
    %add3A_16 = arith.constant 0 : i32
    %add3A_17 = arith.addi %mul3A_2, %add3A_16 : i32
    %dma_start3A_18 = arith.constant 0 : i32
    %dma_start3A_19 = tpu.memref_slice %arg4[%add3A_17, %dma_start3A_18] : memref<819200x32xf32, #tpu.memory_space<hbm>> -> memref<1600x32xf32, #tpu.memory_space<hbm>>
    %dma_start3A_20 = arith.constant 0 : i32
    %dma_start3A_21 = tpu.memref_slice %arg4[%add3A_17, %dma_start3A_20] : memref<819200x32xf32, #tpu.memory_space<hbm>> -> memref<1600x32xf32, #tpu.memory_space<hbm>>
    tpu.enqueue_dma source(%arg8 : memref<1600x32xf32, #tpu.memory_space<vmem>>) target(%dma_start3A_21 : memref<1600x32xf32, #tpu.memory_space<hbm>>) target_semaphore(%arg12 : memref<!tpu.dma_semaphore, #tpu.memory_space<semaphore_mem>>)
    %dma_wait3A_22 = arith.constant 0 : i32
    %dma_wait3A_23 = tpu.memref_slice %arg4[%add3A_17, %dma_wait3A_22] : memref<819200x32xf32, #tpu.memory_space<hbm>> -> memref<1600x32xf32, #tpu.memory_space<hbm>>
    %dma_wait3A_24 = arith.constant 0 : i32
    %dma_wait3A_25 = tpu.memref_slice %arg4[%add3A_17, %dma_wait3A_24] : memref<819200x32xf32, #tpu.memory_space<hbm>> -> memref<1600x32xf32, #tpu.memory_space<hbm>>
    tpu.wait_dma2 semaphore(%arg12 : memref<!tpu.dma_semaphore, #tpu.memory_space<semaphore_mem>>) src(%arg8 : memref<1600x32xf32, #tpu.memory_space<vmem>>) dst(%dma_wait3A_25 : memref<1600x32xf32, #tpu.memory_space<hbm>>)
    %add3A_26 = arith.constant 3200 : i32
    %add3A_27 = arith.addi %mul3A_2, %add3A_26 : i32
    "tpu.region"() ({
      %run_scoped3A = tpu.sem_alloc : memref<!tpu.dma_semaphore, #tpu.memory_space<semaphore_mem>>
      %dma_start3A_291 = tpu.memref_slice %arg2[%add3A_27] : memref<819200xi32, #tpu.memory_space<hbm>> -> memref<1600xi32, #tpu.memory_space<hbm>>
      %dma_start3A_292 = tpu.memref_slice %arg2[%add3A_27] : memref<819200xi32, #tpu.memory_space<hbm>> -> memref<1600xi32, #tpu.memory_space<hbm>>
      tpu.enqueue_dma source(%dma_start3A_292 : memref<1600xi32, #tpu.memory_space<hbm>>) target(%arg6 : memref<1600xi32, #tpu.memory_space<vmem>>) target_semaphore(%run_scoped3A : memref<!tpu.dma_semaphore, #tpu.memory_space<semaphore_mem>>)
      %dma_wait3A_293 = tpu.memref_slice %arg2[%add3A_27] : memref<819200xi32, #tpu.memory_space<hbm>> -> memref<1600xi32, #tpu.memory_space<hbm>>
      %dma_wait3A_294 = tpu.memref_slice %arg2[%add3A_27] : memref<819200xi32, #tpu.memory_space<hbm>> -> memref<1600xi32, #tpu.memory_space<hbm>>
      tpu.wait_dma2 semaphore(%run_scoped3A : memref<!tpu.dma_semaphore, #tpu.memory_space<semaphore_mem>>) src(%dma_wait3A_294 : memref<1600xi32, #tpu.memory_space<hbm>>) dst(%arg6 : memref<1600xi32, #tpu.memory_space<vmem>>)
      tpu.yield
    }) : () -> ()
    %dma_start3A_28 = arith.constant 0 : i32
    %dma_start3A_29 = arith.constant 0 : i32
    %dma_start3A_30 = tpu.memref_slice %arg5[%dma_start3A_28, %dma_start3A_29] : memref<8192x32xf32, #tpu.memory_space<vmem_shared>> -> memref<8192x32xf32, #tpu.memory_space<vmem_shared>>
    tpu.enqueue_indirect_dma source(%dma_start3A_30 : memref<8192x32xf32, #tpu.memory_space<vmem_shared>>) target(%arg8 : memref<1600x32xf32, #tpu.memory_space<vmem>>) offsets(%arg6 : memref<1600xi32, #tpu.memory_space<vmem>>) semaphore(%arg10 : memref<!tpu.dma_semaphore, #tpu.memory_space<semaphore_mem>>)
    %dma_wait3A_31 = arith.constant 0 : i32
    %dma_wait3A_32 = arith.constant 0 : i32
    %dma_wait3A_33 = tpu.memref_slice %arg5[%dma_wait3A_31, %dma_wait3A_32] : memref<8192x32xf32, #tpu.memory_space<vmem_shared>> -> memref<8192x32xf32, #tpu.memory_space<vmem_shared>>
    tpu.wait_indirect_dma semaphore(%arg11 : memref<!tpu.dma_semaphore, #tpu.memory_space<semaphore_mem>>) src(%dma_wait3A_33 : memref<8192x32xf32, #tpu.memory_space<vmem_shared>>) dst(%arg9 : memref<1600x32xf32, #tpu.memory_space<vmem>>)
    %add3A_34 = arith.constant 1600 : i32
    %add3A_35 = arith.addi %mul3A_2, %add3A_34 : i32
    %dma_start3A_36 = arith.constant 0 : i32
    %dma_start3A_37 = tpu.memref_slice %arg4[%add3A_35, %dma_start3A_36] : memref<819200x32xf32, #tpu.memory_space<hbm>> -> memref<1600x32xf32, #tpu.memory_space<hbm>>
    %dma_start3A_38 = arith.constant 0 : i32
    %dma_start3A_39 = tpu.memref_slice %arg4[%add3A_35, %dma_start3A_38] : memref<819200x32xf32, #tpu.memory_space<hbm>> -> memref<1600x32xf32, #tpu.memory_space<hbm>>
    tpu.enqueue_dma source(%arg9 : memref<1600x32xf32, #tpu.memory_space<vmem>>) target(%dma_start3A_39 : memref<1600x32xf32, #tpu.memory_space<hbm>>) target_semaphore(%arg13 : memref<!tpu.dma_semaphore, #tpu.memory_space<semaphore_mem>>)
    %dma_wait3A_40 = arith.constant 0 : i32
    %dma_wait3A_41 = tpu.memref_slice %arg4[%add3A_35, %dma_wait3A_40] : memref<819200x32xf32, #tpu.memory_space<hbm>> -> memref<1600x32xf32, #tpu.memory_space<hbm>>
    %dma_wait3A_42 = arith.constant 0 : i32
    %dma_wait3A_43 = tpu.memref_slice %arg4[%add3A_35, %dma_wait3A_42] : memref<819200x32xf32, #tpu.memory_space<hbm>> -> memref<1600x32xf32, #tpu.memory_space<hbm>>
    tpu.wait_dma2 semaphore(%arg13 : memref<!tpu.dma_semaphore, #tpu.memory_space<semaphore_mem>>) src(%arg9 : memref<1600x32xf32, #tpu.memory_space<vmem>>) dst(%dma_wait3A_43 : memref<1600x32xf32, #tpu.memory_space<hbm>>)
    %add3A_44 = arith.constant 4800 : i32
    %add3A_45 = arith.addi %mul3A_2, %add3A_44 : i32
    "tpu.region"() ({
      %run_scoped3A = tpu.sem_alloc : memref<!tpu.dma_semaphore, #tpu.memory_space<semaphore_mem>>
      %dma_start3A_291 = tpu.memref_slice %arg2[%add3A_45] : memref<819200xi32, #tpu.memory_space<hbm>> -> memref<1600xi32, #tpu.memory_space<hbm>>
      %dma_start3A_292 = tpu.memref_slice %arg2[%add3A_45] : memref<819200xi32, #tpu.memory_space<hbm>> -> memref<1600xi32, #tpu.memory_space<hbm>>
      tpu.enqueue_dma source(%dma_start3A_292 : memref<1600xi32, #tpu.memory_space<hbm>>) target(%arg7 : memref<1600xi32, #tpu.memory_space<vmem>>) target_semaphore(%run_scoped3A : memref<!tpu.dma_semaphore, #tpu.memory_space<semaphore_mem>>)
      %dma_wait3A_293 = tpu.memref_slice %arg2[%add3A_45] : memref<819200xi32, #tpu.memory_space<hbm>> -> memref<1600xi32, #tpu.memory_space<hbm>>
      %dma_wait3A_294 = tpu.memref_slice %arg2[%add3A_45] : memref<819200xi32, #tpu.memory_space<hbm>> -> memref<1600xi32, #tpu.memory_space<hbm>>
      tpu.wait_dma2 semaphore(%run_scoped3A : memref<!tpu.dma_semaphore, #tpu.memory_space<semaphore_mem>>) src(%dma_wait3A_294 : memref<1600xi32, #tpu.memory_space<hbm>>) dst(%arg7 : memref<1600xi32, #tpu.memory_space<vmem>>)
      tpu.yield
    }) : () -> ()
    %dma_start3A_46 = arith.constant 0 : i32
    %dma_start3A_47 = arith.constant 0 : i32
    %dma_start3A_48 = tpu.memref_slice %arg5[%dma_start3A_46, %dma_start3A_47] : memref<8192x32xf32, #tpu.memory_space<vmem_shared>> -> memref<8192x32xf32, #tpu.memory_space<vmem_shared>>
    tpu.enqueue_indirect_dma source(%dma_start3A_48 : memref<8192x32xf32, #tpu.memory_space<vmem_shared>>) target(%arg9 : memref<1600x32xf32, #tpu.memory_space<vmem>>) offsets(%arg7 : memref<1600xi32, #tpu.memory_space<vmem>>) semaphore(%arg11 : memref<!tpu.dma_semaphore, #tpu.memory_space<semaphore_mem>>)
    %dma_wait3A_49 = arith.constant 0 : i32
    %dma_wait3A_50 = arith.constant 0 : i32
    %dma_wait3A_51 = tpu.memref_slice %arg5[%dma_wait3A_49, %dma_wait3A_50] : memref<8192x32xf32, #tpu.memory_space<vmem_shared>> -> memref<8192x32xf32, #tpu.memory_space<vmem_shared>>
    tpu.wait_indirect_dma semaphore(%arg10 : memref<!tpu.dma_semaphore, #tpu.memory_space<semaphore_mem>>) src(%dma_wait3A_51 : memref<8192x32xf32, #tpu.memory_space<vmem_shared>>) dst(%arg8 : memref<1600x32xf32, #tpu.memory_space<vmem>>)
    %add3A_52 = arith.constant 3200 : i32
    %add3A_53 = arith.addi %mul3A_2, %add3A_52 : i32
    %dma_start3A_54 = arith.constant 0 : i32
    %dma_start3A_55 = tpu.memref_slice %arg4[%add3A_53, %dma_start3A_54] : memref<819200x32xf32, #tpu.memory_space<hbm>> -> memref<1600x32xf32, #tpu.memory_space<hbm>>
    %dma_start3A_56 = arith.constant 0 : i32
    %dma_start3A_57 = tpu.memref_slice %arg4[%add3A_53, %dma_start3A_56] : memref<819200x32xf32, #tpu.memory_space<hbm>> -> memref<1600x32xf32, #tpu.memory_space<hbm>>
    tpu.enqueue_dma source(%arg8 : memref<1600x32xf32, #tpu.memory_space<vmem>>) target(%dma_start3A_57 : memref<1600x32xf32, #tpu.memory_space<hbm>>) target_semaphore(%arg12 : memref<!tpu.dma_semaphore, #tpu.memory_space<semaphore_mem>>)
    %dma_wait3A_58 = arith.constant 0 : i32
    %dma_wait3A_59 = tpu.memref_slice %arg4[%add3A_53, %dma_wait3A_58] : memref<819200x32xf32, #tpu.memory_space<hbm>> -> memref<1600x32xf32, #tpu.memory_space<hbm>>
    %dma_wait3A_60 = arith.constant 0 : i32
    %dma_wait3A_61 = tpu.memref_slice %arg4[%add3A_53, %dma_wait3A_60] : memref<819200x32xf32, #tpu.memory_space<hbm>> -> memref<1600x32xf32, #tpu.memory_space<hbm>>
    tpu.wait_dma2 semaphore(%arg12 : memref<!tpu.dma_semaphore, #tpu.memory_space<semaphore_mem>>) src(%arg8 : memref<1600x32xf32, #tpu.memory_space<vmem>>) dst(%dma_wait3A_61 : memref<1600x32xf32, #tpu.memory_space<hbm>>)
    %add3A_62 = arith.constant 6400 : i32
    %add3A_63 = arith.addi %mul3A_2, %add3A_62 : i32
    "tpu.region"() ({
      %run_scoped3A = tpu.sem_alloc : memref<!tpu.dma_semaphore, #tpu.memory_space<semaphore_mem>>
      %dma_start3A_291 = tpu.memref_slice %arg2[%add3A_63] : memref<819200xi32, #tpu.memory_space<hbm>> -> memref<1600xi32, #tpu.memory_space<hbm>>
      %dma_start3A_292 = tpu.memref_slice %arg2[%add3A_63] : memref<819200xi32, #tpu.memory_space<hbm>> -> memref<1600xi32, #tpu.memory_space<hbm>>
      tpu.enqueue_dma source(%dma_start3A_292 : memref<1600xi32, #tpu.memory_space<hbm>>) target(%arg6 : memref<1600xi32, #tpu.memory_space<vmem>>) target_semaphore(%run_scoped3A : memref<!tpu.dma_semaphore, #tpu.memory_space<semaphore_mem>>)
      %dma_wait3A_293 = tpu.memref_slice %arg2[%add3A_63] : memref<819200xi32, #tpu.memory_space<hbm>> -> memref<1600xi32, #tpu.memory_space<hbm>>
      %dma_wait3A_294 = tpu.memref_slice %arg2[%add3A_63] : memref<819200xi32, #tpu.memory_space<hbm>> -> memref<1600xi32, #tpu.memory_space<hbm>>
      tpu.wait_dma2 semaphore(%run_scoped3A : memref<!tpu.dma_semaphore, #tpu.memory_space<semaphore_mem>>) src(%dma_wait3A_294 : memref<1600xi32, #tpu.memory_space<hbm>>) dst(%arg6 : memref<1600xi32, #tpu.memory_space<vmem>>)
      tpu.yield
    }) : () -> ()
    %dma_start3A_64 = arith.constant 0 : i32
    %dma_start3A_65 = arith.constant 0 : i32
    %dma_start3A_66 = tpu.memref_slice %arg5[%dma_start3A_64, %dma_start3A_65] : memref<8192x32xf32, #tpu.memory_space<vmem_shared>> -> memref<8192x32xf32, #tpu.memory_space<vmem_shared>>
    tpu.enqueue_indirect_dma source(%dma_start3A_66 : memref<8192x32xf32, #tpu.memory_space<vmem_shared>>) target(%arg8 : memref<1600x32xf32, #tpu.memory_space<vmem>>) offsets(%arg6 : memref<1600xi32, #tpu.memory_space<vmem>>) semaphore(%arg10 : memref<!tpu.dma_semaphore, #tpu.memory_space<semaphore_mem>>)
    %dma_wait3A_67 = arith.constant 0 : i32
    %dma_wait3A_68 = arith.constant 0 : i32
    %dma_wait3A_69 = tpu.memref_slice %arg5[%dma_wait3A_67, %dma_wait3A_68] : memref<8192x32xf32, #tpu.memory_space<vmem_shared>> -> memref<8192x32xf32, #tpu.memory_space<vmem_shared>>
    tpu.wait_indirect_dma semaphore(%arg11 : memref<!tpu.dma_semaphore, #tpu.memory_space<semaphore_mem>>) src(%dma_wait3A_69 : memref<8192x32xf32, #tpu.memory_space<vmem_shared>>) dst(%arg9 : memref<1600x32xf32, #tpu.memory_space<vmem>>)
    %add3A_70 = arith.constant 4800 : i32
    %add3A_71 = arith.addi %mul3A_2, %add3A_70 : i32
    %dma_start3A_72 = arith.constant 0 : i32
    %dma_start3A_73 = tpu.memref_slice %arg4[%add3A_71, %dma_start3A_72] : memref<819200x32xf32, #tpu.memory_space<hbm>> -> memref<1600x32xf32, #tpu.memory_space<hbm>>
    %dma_start3A_74 = arith.constant 0 : i32
    %dma_start3A_75 = tpu.memref_slice %arg4[%add3A_71, %dma_start3A_74] : memref<819200x32xf32, #tpu.memory_space<hbm>> -> memref<1600x32xf32, #tpu.memory_space<hbm>>
    tpu.enqueue_dma source(%arg9 : memref<1600x32xf32, #tpu.memory_space<vmem>>) target(%dma_start3A_75 : memref<1600x32xf32, #tpu.memory_space<hbm>>) target_semaphore(%arg13 : memref<!tpu.dma_semaphore, #tpu.memory_space<semaphore_mem>>)
    %dma_wait3A_76 = arith.constant 0 : i32
    %dma_wait3A_77 = tpu.memref_slice %arg4[%add3A_71, %dma_wait3A_76] : memref<819200x32xf32, #tpu.memory_space<hbm>> -> memref<1600x32xf32, #tpu.memory_space<hbm>>
    %dma_wait3A_78 = arith.constant 0 : i32
    %dma_wait3A_79 = tpu.memref_slice %arg4[%add3A_71, %dma_wait3A_78] : memref<819200x32xf32, #tpu.memory_space<hbm>> -> memref<1600x32xf32, #tpu.memory_space<hbm>>
    tpu.wait_dma2 semaphore(%arg13 : memref<!tpu.dma_semaphore, #tpu.memory_space<semaphore_mem>>) src(%arg9 : memref<1600x32xf32, #tpu.memory_space<vmem>>) dst(%dma_wait3A_79 : memref<1600x32xf32, #tpu.memory_space<hbm>>)
    %add3A_80 = arith.constant 8000 : i32
    %add3A_81 = arith.addi %mul3A_2, %add3A_80 : i32
    "tpu.region"() ({
      %run_scoped3A = tpu.sem_alloc : memref<!tpu.dma_semaphore, #tpu.memory_space<semaphore_mem>>
      %dma_start3A_291 = tpu.memref_slice %arg2[%add3A_81] : memref<819200xi32, #tpu.memory_space<hbm>> -> memref<1600xi32, #tpu.memory_space<hbm>>
      %dma_start3A_292 = tpu.memref_slice %arg2[%add3A_81] : memref<819200xi32, #tpu.memory_space<hbm>> -> memref<1600xi32, #tpu.memory_space<hbm>>
      tpu.enqueue_dma source(%dma_start3A_292 : memref<1600xi32, #tpu.memory_space<hbm>>) target(%arg7 : memref<1600xi32, #tpu.memory_space<vmem>>) target_semaphore(%run_scoped3A : memref<!tpu.dma_semaphore, #tpu.memory_space<semaphore_mem>>)
      %dma_wait3A_293 = tpu.memref_slice %arg2[%add3A_81] : memref<819200xi32, #tpu.memory_space<hbm>> -> memref<1600xi32, #tpu.memory_space<hbm>>
      %dma_wait3A_294 = tpu.memref_slice %arg2[%add3A_81] : memref<819200xi32, #tpu.memory_space<hbm>> -> memref<1600xi32, #tpu.memory_space<hbm>>
      tpu.wait_dma2 semaphore(%run_scoped3A : memref<!tpu.dma_semaphore, #tpu.memory_space<semaphore_mem>>) src(%dma_wait3A_294 : memref<1600xi32, #tpu.memory_space<hbm>>) dst(%arg7 : memref<1600xi32, #tpu.memory_space<vmem>>)
      tpu.yield
    }) : () -> ()
    %dma_start3A_82 = arith.constant 0 : i32
    %dma_start3A_83 = arith.constant 0 : i32
    %dma_start3A_84 = tpu.memref_slice %arg5[%dma_start3A_82, %dma_start3A_83] : memref<8192x32xf32, #tpu.memory_space<vmem_shared>> -> memref<8192x32xf32, #tpu.memory_space<vmem_shared>>
    tpu.enqueue_indirect_dma source(%dma_start3A_84 : memref<8192x32xf32, #tpu.memory_space<vmem_shared>>) target(%arg9 : memref<1600x32xf32, #tpu.memory_space<vmem>>) offsets(%arg7 : memref<1600xi32, #tpu.memory_space<vmem>>) semaphore(%arg11 : memref<!tpu.dma_semaphore, #tpu.memory_space<semaphore_mem>>)
    %dma_wait3A_85 = arith.constant 0 : i32
    %dma_wait3A_86 = arith.constant 0 : i32
    %dma_wait3A_87 = tpu.memref_slice %arg5[%dma_wait3A_85, %dma_wait3A_86] : memref<8192x32xf32, #tpu.memory_space<vmem_shared>> -> memref<8192x32xf32, #tpu.memory_space<vmem_shared>>
    tpu.wait_indirect_dma semaphore(%arg10 : memref<!tpu.dma_semaphore, #tpu.memory_space<semaphore_mem>>) src(%dma_wait3A_87 : memref<8192x32xf32, #tpu.memory_space<vmem_shared>>) dst(%arg8 : memref<1600x32xf32, #tpu.memory_space<vmem>>)
    %add3A_88 = arith.constant 6400 : i32
    %add3A_89 = arith.addi %mul3A_2, %add3A_88 : i32
    %dma_start3A_90 = arith.constant 0 : i32
    %dma_start3A_91 = tpu.memref_slice %arg4[%add3A_89, %dma_start3A_90] : memref<819200x32xf32, #tpu.memory_space<hbm>> -> memref<1600x32xf32, #tpu.memory_space<hbm>>
    %dma_start3A_92 = arith.constant 0 : i32
    %dma_start3A_93 = tpu.memref_slice %arg4[%add3A_89, %dma_start3A_92] : memref<819200x32xf32, #tpu.memory_space<hbm>> -> memref<1600x32xf32, #tpu.memory_space<hbm>>
    tpu.enqueue_dma source(%arg8 : memref<1600x32xf32, #tpu.memory_space<vmem>>) target(%dma_start3A_93 : memref<1600x32xf32, #tpu.memory_space<hbm>>) target_semaphore(%arg12 : memref<!tpu.dma_semaphore, #tpu.memory_space<semaphore_mem>>)
    %dma_wait3A_94 = arith.constant 0 : i32
    %dma_wait3A_95 = tpu.memref_slice %arg4[%add3A_89, %dma_wait3A_94] : memref<819200x32xf32, #tpu.memory_space<hbm>> -> memref<1600x32xf32, #tpu.memory_space<hbm>>
    %dma_wait3A_96 = arith.constant 0 : i32
    %dma_wait3A_97 = tpu.memref_slice %arg4[%add3A_89, %dma_wait3A_96] : memref<819200x32xf32, #tpu.memory_space<hbm>> -> memref<1600x32xf32, #tpu.memory_space<hbm>>
    tpu.wait_dma2 semaphore(%arg12 : memref<!tpu.dma_semaphore, #tpu.memory_space<semaphore_mem>>) src(%arg8 : memref<1600x32xf32, #tpu.memory_space<vmem>>) dst(%dma_wait3A_97 : memref<1600x32xf32, #tpu.memory_space<hbm>>)
    %add3A_98 = arith.constant 9600 : i32
    %add3A_99 = arith.addi %mul3A_2, %add3A_98 : i32
    "tpu.region"() ({
      %run_scoped3A = tpu.sem_alloc : memref<!tpu.dma_semaphore, #tpu.memory_space<semaphore_mem>>
      %dma_start3A_291 = tpu.memref_slice %arg2[%add3A_99] : memref<819200xi32, #tpu.memory_space<hbm>> -> memref<1600xi32, #tpu.memory_space<hbm>>
      %dma_start3A_292 = tpu.memref_slice %arg2[%add3A_99] : memref<819200xi32, #tpu.memory_space<hbm>> -> memref<1600xi32, #tpu.memory_space<hbm>>
      tpu.enqueue_dma source(%dma_start3A_292 : memref<1600xi32, #tpu.memory_space<hbm>>) target(%arg6 : memref<1600xi32, #tpu.memory_space<vmem>>) target_semaphore(%run_scoped3A : memref<!tpu.dma_semaphore, #tpu.memory_space<semaphore_mem>>)
      %dma_wait3A_293 = tpu.memref_slice %arg2[%add3A_99] : memref<819200xi32, #tpu.memory_space<hbm>> -> memref<1600xi32, #tpu.memory_space<hbm>>
      %dma_wait3A_294 = tpu.memref_slice %arg2[%add3A_99] : memref<819200xi32, #tpu.memory_space<hbm>> -> memref<1600xi32, #tpu.memory_space<hbm>>
      tpu.wait_dma2 semaphore(%run_scoped3A : memref<!tpu.dma_semaphore, #tpu.memory_space<semaphore_mem>>) src(%dma_wait3A_294 : memref<1600xi32, #tpu.memory_space<hbm>>) dst(%arg6 : memref<1600xi32, #tpu.memory_space<vmem>>)
      tpu.yield
    }) : () -> ()
    %dma_start3A_100 = arith.constant 0 : i32
    %dma_start3A_101 = arith.constant 0 : i32
    %dma_start3A_102 = tpu.memref_slice %arg5[%dma_start3A_100, %dma_start3A_101] : memref<8192x32xf32, #tpu.memory_space<vmem_shared>> -> memref<8192x32xf32, #tpu.memory_space<vmem_shared>>
    tpu.enqueue_indirect_dma source(%dma_start3A_102 : memref<8192x32xf32, #tpu.memory_space<vmem_shared>>) target(%arg8 : memref<1600x32xf32, #tpu.memory_space<vmem>>) offsets(%arg6 : memref<1600xi32, #tpu.memory_space<vmem>>) semaphore(%arg10 : memref<!tpu.dma_semaphore, #tpu.memory_space<semaphore_mem>>)
    %dma_wait3A_103 = arith.constant 0 : i32
    %dma_wait3A_104 = arith.constant 0 : i32
    %dma_wait3A_105 = tpu.memref_slice %arg5[%dma_wait3A_103, %dma_wait3A_104] : memref<8192x32xf32, #tpu.memory_space<vmem_shared>> -> memref<8192x32xf32, #tpu.memory_space<vmem_shared>>
    tpu.wait_indirect_dma semaphore(%arg11 : memref<!tpu.dma_semaphore, #tpu.memory_space<semaphore_mem>>) src(%dma_wait3A_105 : memref<8192x32xf32, #tpu.memory_space<vmem_shared>>) dst(%arg9 : memref<1600x32xf32, #tpu.memory_space<vmem>>)
    %add3A_106 = arith.constant 8000 : i32
    %add3A_107 = arith.addi %mul3A_2, %add3A_106 : i32
    %dma_start3A_108 = arith.constant 0 : i32
    %dma_start3A_109 = tpu.memref_slice %arg4[%add3A_107, %dma_start3A_108] : memref<819200x32xf32, #tpu.memory_space<hbm>> -> memref<1600x32xf32, #tpu.memory_space<hbm>>
    %dma_start3A_110 = arith.constant 0 : i32
    %dma_start3A_111 = tpu.memref_slice %arg4[%add3A_107, %dma_start3A_110] : memref<819200x32xf32, #tpu.memory_space<hbm>> -> memref<1600x32xf32, #tpu.memory_space<hbm>>
    tpu.enqueue_dma source(%arg9 : memref<1600x32xf32, #tpu.memory_space<vmem>>) target(%dma_start3A_111 : memref<1600x32xf32, #tpu.memory_space<hbm>>) target_semaphore(%arg13 : memref<!tpu.dma_semaphore, #tpu.memory_space<semaphore_mem>>)
    %dma_wait3A_112 = arith.constant 0 : i32
    %dma_wait3A_113 = tpu.memref_slice %arg4[%add3A_107, %dma_wait3A_112] : memref<819200x32xf32, #tpu.memory_space<hbm>> -> memref<1600x32xf32, #tpu.memory_space<hbm>>
    %dma_wait3A_114 = arith.constant 0 : i32
    %dma_wait3A_115 = tpu.memref_slice %arg4[%add3A_107, %dma_wait3A_114] : memref<819200x32xf32, #tpu.memory_space<hbm>> -> memref<1600x32xf32, #tpu.memory_space<hbm>>
    tpu.wait_dma2 semaphore(%arg13 : memref<!tpu.dma_semaphore, #tpu.memory_space<semaphore_mem>>) src(%arg9 : memref<1600x32xf32, #tpu.memory_space<vmem>>) dst(%dma_wait3A_115 : memref<1600x32xf32, #tpu.memory_space<hbm>>)
    %add3A_116 = arith.constant 11200 : i32
    %add3A_117 = arith.addi %mul3A_2, %add3A_116 : i32
    "tpu.region"() ({
      %run_scoped3A = tpu.sem_alloc : memref<!tpu.dma_semaphore, #tpu.memory_space<semaphore_mem>>
      %dma_start3A_291 = tpu.memref_slice %arg2[%add3A_117] : memref<819200xi32, #tpu.memory_space<hbm>> -> memref<1600xi32, #tpu.memory_space<hbm>>
      %dma_start3A_292 = tpu.memref_slice %arg2[%add3A_117] : memref<819200xi32, #tpu.memory_space<hbm>> -> memref<1600xi32, #tpu.memory_space<hbm>>
      tpu.enqueue_dma source(%dma_start3A_292 : memref<1600xi32, #tpu.memory_space<hbm>>) target(%arg7 : memref<1600xi32, #tpu.memory_space<vmem>>) target_semaphore(%run_scoped3A : memref<!tpu.dma_semaphore, #tpu.memory_space<semaphore_mem>>)
      %dma_wait3A_293 = tpu.memref_slice %arg2[%add3A_117] : memref<819200xi32, #tpu.memory_space<hbm>> -> memref<1600xi32, #tpu.memory_space<hbm>>
      %dma_wait3A_294 = tpu.memref_slice %arg2[%add3A_117] : memref<819200xi32, #tpu.memory_space<hbm>> -> memref<1600xi32, #tpu.memory_space<hbm>>
      tpu.wait_dma2 semaphore(%run_scoped3A : memref<!tpu.dma_semaphore, #tpu.memory_space<semaphore_mem>>) src(%dma_wait3A_294 : memref<1600xi32, #tpu.memory_space<hbm>>) dst(%arg7 : memref<1600xi32, #tpu.memory_space<vmem>>)
      tpu.yield
    }) : () -> ()
    %dma_start3A_118 = arith.constant 0 : i32
    %dma_start3A_119 = arith.constant 0 : i32
    %dma_start3A_120 = tpu.memref_slice %arg5[%dma_start3A_118, %dma_start3A_119] : memref<8192x32xf32, #tpu.memory_space<vmem_shared>> -> memref<8192x32xf32, #tpu.memory_space<vmem_shared>>
    tpu.enqueue_indirect_dma source(%dma_start3A_120 : memref<8192x32xf32, #tpu.memory_space<vmem_shared>>) target(%arg9 : memref<1600x32xf32, #tpu.memory_space<vmem>>) offsets(%arg7 : memref<1600xi32, #tpu.memory_space<vmem>>) semaphore(%arg11 : memref<!tpu.dma_semaphore, #tpu.memory_space<semaphore_mem>>)
    %dma_wait3A_121 = arith.constant 0 : i32
    %dma_wait3A_122 = arith.constant 0 : i32
    %dma_wait3A_123 = tpu.memref_slice %arg5[%dma_wait3A_121, %dma_wait3A_122] : memref<8192x32xf32, #tpu.memory_space<vmem_shared>> -> memref<8192x32xf32, #tpu.memory_space<vmem_shared>>
    tpu.wait_indirect_dma semaphore(%arg10 : memref<!tpu.dma_semaphore, #tpu.memory_space<semaphore_mem>>) src(%dma_wait3A_123 : memref<8192x32xf32, #tpu.memory_space<vmem_shared>>) dst(%arg8 : memref<1600x32xf32, #tpu.memory_space<vmem>>)
    %add3A_124 = arith.constant 9600 : i32
    %add3A_125 = arith.addi %mul3A_2, %add3A_124 : i32
    %dma_start3A_126 = arith.constant 0 : i32
    %dma_start3A_127 = tpu.memref_slice %arg4[%add3A_125, %dma_start3A_126] : memref<819200x32xf32, #tpu.memory_space<hbm>> -> memref<1600x32xf32, #tpu.memory_space<hbm>>
    %dma_start3A_128 = arith.constant 0 : i32
    %dma_start3A_129 = tpu.memref_slice %arg4[%add3A_125, %dma_start3A_128] : memref<819200x32xf32, #tpu.memory_space<hbm>> -> memref<1600x32xf32, #tpu.memory_space<hbm>>
    tpu.enqueue_dma source(%arg8 : memref<1600x32xf32, #tpu.memory_space<vmem>>) target(%dma_start3A_129 : memref<1600x32xf32, #tpu.memory_space<hbm>>) target_semaphore(%arg12 : memref<!tpu.dma_semaphore, #tpu.memory_space<semaphore_mem>>)
    %dma_wait3A_130 = arith.constant 0 : i32
    %dma_wait3A_131 = tpu.memref_slice %arg4[%add3A_125, %dma_wait3A_130] : memref<819200x32xf32, #tpu.memory_space<hbm>> -> memref<1600x32xf32, #tpu.memory_space<hbm>>
    %dma_wait3A_132 = arith.constant 0 : i32
    %dma_wait3A_133 = tpu.memref_slice %arg4[%add3A_125, %dma_wait3A_132] : memref<819200x32xf32, #tpu.memory_space<hbm>> -> memref<1600x32xf32, #tpu.memory_space<hbm>>
    tpu.wait_dma2 semaphore(%arg12 : memref<!tpu.dma_semaphore, #tpu.memory_space<semaphore_mem>>) src(%arg8 : memref<1600x32xf32, #tpu.memory_space<vmem>>) dst(%dma_wait3A_133 : memref<1600x32xf32, #tpu.memory_space<hbm>>)
    %add3A_134 = arith.constant 12800 : i32
    %add3A_135 = arith.addi %mul3A_2, %add3A_134 : i32
    "tpu.region"() ({
      %run_scoped3A = tpu.sem_alloc : memref<!tpu.dma_semaphore, #tpu.memory_space<semaphore_mem>>
      %dma_start3A_291 = tpu.memref_slice %arg2[%add3A_135] : memref<819200xi32, #tpu.memory_space<hbm>> -> memref<1600xi32, #tpu.memory_space<hbm>>
      %dma_start3A_292 = tpu.memref_slice %arg2[%add3A_135] : memref<819200xi32, #tpu.memory_space<hbm>> -> memref<1600xi32, #tpu.memory_space<hbm>>
      tpu.enqueue_dma source(%dma_start3A_292 : memref<1600xi32, #tpu.memory_space<hbm>>) target(%arg6 : memref<1600xi32, #tpu.memory_space<vmem>>) target_semaphore(%run_scoped3A : memref<!tpu.dma_semaphore, #tpu.memory_space<semaphore_mem>>)
      %dma_wait3A_293 = tpu.memref_slice %arg2[%add3A_135] : memref<819200xi32, #tpu.memory_space<hbm>> -> memref<1600xi32, #tpu.memory_space<hbm>>
      %dma_wait3A_294 = tpu.memref_slice %arg2[%add3A_135] : memref<819200xi32, #tpu.memory_space<hbm>> -> memref<1600xi32, #tpu.memory_space<hbm>>
      tpu.wait_dma2 semaphore(%run_scoped3A : memref<!tpu.dma_semaphore, #tpu.memory_space<semaphore_mem>>) src(%dma_wait3A_294 : memref<1600xi32, #tpu.memory_space<hbm>>) dst(%arg6 : memref<1600xi32, #tpu.memory_space<vmem>>)
      tpu.yield
    }) : () -> ()
    %dma_start3A_136 = arith.constant 0 : i32
    %dma_start3A_137 = arith.constant 0 : i32
    %dma_start3A_138 = tpu.memref_slice %arg5[%dma_start3A_136, %dma_start3A_137] : memref<8192x32xf32, #tpu.memory_space<vmem_shared>> -> memref<8192x32xf32, #tpu.memory_space<vmem_shared>>
    tpu.enqueue_indirect_dma source(%dma_start3A_138 : memref<8192x32xf32, #tpu.memory_space<vmem_shared>>) target(%arg8 : memref<1600x32xf32, #tpu.memory_space<vmem>>) offsets(%arg6 : memref<1600xi32, #tpu.memory_space<vmem>>) semaphore(%arg10 : memref<!tpu.dma_semaphore, #tpu.memory_space<semaphore_mem>>)
    %dma_wait3A_139 = arith.constant 0 : i32
    %dma_wait3A_140 = arith.constant 0 : i32
    %dma_wait3A_141 = tpu.memref_slice %arg5[%dma_wait3A_139, %dma_wait3A_140] : memref<8192x32xf32, #tpu.memory_space<vmem_shared>> -> memref<8192x32xf32, #tpu.memory_space<vmem_shared>>
    tpu.wait_indirect_dma semaphore(%arg11 : memref<!tpu.dma_semaphore, #tpu.memory_space<semaphore_mem>>) src(%dma_wait3A_141 : memref<8192x32xf32, #tpu.memory_space<vmem_shared>>) dst(%arg9 : memref<1600x32xf32, #tpu.memory_space<vmem>>)
    %add3A_142 = arith.constant 11200 : i32
    %add3A_143 = arith.addi %mul3A_2, %add3A_142 : i32
    %dma_start3A_144 = arith.constant 0 : i32
    %dma_start3A_145 = tpu.memref_slice %arg4[%add3A_143, %dma_start3A_144] : memref<819200x32xf32, #tpu.memory_space<hbm>> -> memref<1600x32xf32, #tpu.memory_space<hbm>>
    %dma_start3A_146 = arith.constant 0 : i32
    %dma_start3A_147 = tpu.memref_slice %arg4[%add3A_143, %dma_start3A_146] : memref<819200x32xf32, #tpu.memory_space<hbm>> -> memref<1600x32xf32, #tpu.memory_space<hbm>>
    tpu.enqueue_dma source(%arg9 : memref<1600x32xf32, #tpu.memory_space<vmem>>) target(%dma_start3A_147 : memref<1600x32xf32, #tpu.memory_space<hbm>>) target_semaphore(%arg13 : memref<!tpu.dma_semaphore, #tpu.memory_space<semaphore_mem>>)
    %dma_wait3A_148 = arith.constant 0 : i32
    %dma_wait3A_149 = tpu.memref_slice %arg4[%add3A_143, %dma_wait3A_148] : memref<819200x32xf32, #tpu.memory_space<hbm>> -> memref<1600x32xf32, #tpu.memory_space<hbm>>
    %dma_wait3A_150 = arith.constant 0 : i32
    %dma_wait3A_151 = tpu.memref_slice %arg4[%add3A_143, %dma_wait3A_150] : memref<819200x32xf32, #tpu.memory_space<hbm>> -> memref<1600x32xf32, #tpu.memory_space<hbm>>
    tpu.wait_dma2 semaphore(%arg13 : memref<!tpu.dma_semaphore, #tpu.memory_space<semaphore_mem>>) src(%arg9 : memref<1600x32xf32, #tpu.memory_space<vmem>>) dst(%dma_wait3A_151 : memref<1600x32xf32, #tpu.memory_space<hbm>>)
    %add3A_152 = arith.constant 14400 : i32
    %add3A_153 = arith.addi %mul3A_2, %add3A_152 : i32
    "tpu.region"() ({
      %run_scoped3A = tpu.sem_alloc : memref<!tpu.dma_semaphore, #tpu.memory_space<semaphore_mem>>
      %dma_start3A_291 = tpu.memref_slice %arg2[%add3A_153] : memref<819200xi32, #tpu.memory_space<hbm>> -> memref<1600xi32, #tpu.memory_space<hbm>>
      %dma_start3A_292 = tpu.memref_slice %arg2[%add3A_153] : memref<819200xi32, #tpu.memory_space<hbm>> -> memref<1600xi32, #tpu.memory_space<hbm>>
      tpu.enqueue_dma source(%dma_start3A_292 : memref<1600xi32, #tpu.memory_space<hbm>>) target(%arg7 : memref<1600xi32, #tpu.memory_space<vmem>>) target_semaphore(%run_scoped3A : memref<!tpu.dma_semaphore, #tpu.memory_space<semaphore_mem>>)
      %dma_wait3A_293 = tpu.memref_slice %arg2[%add3A_153] : memref<819200xi32, #tpu.memory_space<hbm>> -> memref<1600xi32, #tpu.memory_space<hbm>>
      %dma_wait3A_294 = tpu.memref_slice %arg2[%add3A_153] : memref<819200xi32, #tpu.memory_space<hbm>> -> memref<1600xi32, #tpu.memory_space<hbm>>
      tpu.wait_dma2 semaphore(%run_scoped3A : memref<!tpu.dma_semaphore, #tpu.memory_space<semaphore_mem>>) src(%dma_wait3A_294 : memref<1600xi32, #tpu.memory_space<hbm>>) dst(%arg7 : memref<1600xi32, #tpu.memory_space<vmem>>)
      tpu.yield
    }) : () -> ()
    %dma_start3A_154 = arith.constant 0 : i32
    %dma_start3A_155 = arith.constant 0 : i32
    %dma_start3A_156 = tpu.memref_slice %arg5[%dma_start3A_154, %dma_start3A_155] : memref<8192x32xf32, #tpu.memory_space<vmem_shared>> -> memref<8192x32xf32, #tpu.memory_space<vmem_shared>>
    tpu.enqueue_indirect_dma source(%dma_start3A_156 : memref<8192x32xf32, #tpu.memory_space<vmem_shared>>) target(%arg9 : memref<1600x32xf32, #tpu.memory_space<vmem>>) offsets(%arg7 : memref<1600xi32, #tpu.memory_space<vmem>>) semaphore(%arg11 : memref<!tpu.dma_semaphore, #tpu.memory_space<semaphore_mem>>)
    %dma_wait3A_157 = arith.constant 0 : i32
    %dma_wait3A_158 = arith.constant 0 : i32
    %dma_wait3A_159 = tpu.memref_slice %arg5[%dma_wait3A_157, %dma_wait3A_158] : memref<8192x32xf32, #tpu.memory_space<vmem_shared>> -> memref<8192x32xf32, #tpu.memory_space<vmem_shared>>
    tpu.wait_indirect_dma semaphore(%arg10 : memref<!tpu.dma_semaphore, #tpu.memory_space<semaphore_mem>>) src(%dma_wait3A_159 : memref<8192x32xf32, #tpu.memory_space<vmem_shared>>) dst(%arg8 : memref<1600x32xf32, #tpu.memory_space<vmem>>)
    %add3A_160 = arith.constant 12800 : i32
    %add3A_161 = arith.addi %mul3A_2, %add3A_160 : i32
    %dma_start3A_162 = arith.constant 0 : i32
    %dma_start3A_163 = tpu.memref_slice %arg4[%add3A_161, %dma_start3A_162] : memref<819200x32xf32, #tpu.memory_space<hbm>> -> memref<1600x32xf32, #tpu.memory_space<hbm>>
    %dma_start3A_164 = arith.constant 0 : i32
    %dma_start3A_165 = tpu.memref_slice %arg4[%add3A_161, %dma_start3A_164] : memref<819200x32xf32, #tpu.memory_space<hbm>> -> memref<1600x32xf32, #tpu.memory_space<hbm>>
    tpu.enqueue_dma source(%arg8 : memref<1600x32xf32, #tpu.memory_space<vmem>>) target(%dma_start3A_165 : memref<1600x32xf32, #tpu.memory_space<hbm>>) target_semaphore(%arg12 : memref<!tpu.dma_semaphore, #tpu.memory_space<semaphore_mem>>)
    %dma_wait3A_166 = arith.constant 0 : i32
    %dma_wait3A_167 = tpu.memref_slice %arg4[%add3A_161, %dma_wait3A_166] : memref<819200x32xf32, #tpu.memory_space<hbm>> -> memref<1600x32xf32, #tpu.memory_space<hbm>>
    %dma_wait3A_168 = arith.constant 0 : i32
    %dma_wait3A_169 = tpu.memref_slice %arg4[%add3A_161, %dma_wait3A_168] : memref<819200x32xf32, #tpu.memory_space<hbm>> -> memref<1600x32xf32, #tpu.memory_space<hbm>>
    tpu.wait_dma2 semaphore(%arg12 : memref<!tpu.dma_semaphore, #tpu.memory_space<semaphore_mem>>) src(%arg8 : memref<1600x32xf32, #tpu.memory_space<vmem>>) dst(%dma_wait3A_169 : memref<1600x32xf32, #tpu.memory_space<hbm>>)
    %add3A_170 = arith.constant 16000 : i32
    %add3A_171 = arith.addi %mul3A_2, %add3A_170 : i32
    "tpu.region"() ({
      %run_scoped3A = tpu.sem_alloc : memref<!tpu.dma_semaphore, #tpu.memory_space<semaphore_mem>>
      %dma_start3A_291 = tpu.memref_slice %arg2[%add3A_171] : memref<819200xi32, #tpu.memory_space<hbm>> -> memref<1600xi32, #tpu.memory_space<hbm>>
      %dma_start3A_292 = tpu.memref_slice %arg2[%add3A_171] : memref<819200xi32, #tpu.memory_space<hbm>> -> memref<1600xi32, #tpu.memory_space<hbm>>
      tpu.enqueue_dma source(%dma_start3A_292 : memref<1600xi32, #tpu.memory_space<hbm>>) target(%arg6 : memref<1600xi32, #tpu.memory_space<vmem>>) target_semaphore(%run_scoped3A : memref<!tpu.dma_semaphore, #tpu.memory_space<semaphore_mem>>)
      %dma_wait3A_293 = tpu.memref_slice %arg2[%add3A_171] : memref<819200xi32, #tpu.memory_space<hbm>> -> memref<1600xi32, #tpu.memory_space<hbm>>
      %dma_wait3A_294 = tpu.memref_slice %arg2[%add3A_171] : memref<819200xi32, #tpu.memory_space<hbm>> -> memref<1600xi32, #tpu.memory_space<hbm>>
      tpu.wait_dma2 semaphore(%run_scoped3A : memref<!tpu.dma_semaphore, #tpu.memory_space<semaphore_mem>>) src(%dma_wait3A_294 : memref<1600xi32, #tpu.memory_space<hbm>>) dst(%arg6 : memref<1600xi32, #tpu.memory_space<vmem>>)
      tpu.yield
    }) : () -> ()
    %dma_start3A_172 = arith.constant 0 : i32
    %dma_start3A_173 = arith.constant 0 : i32
    %dma_start3A_174 = tpu.memref_slice %arg5[%dma_start3A_172, %dma_start3A_173] : memref<8192x32xf32, #tpu.memory_space<vmem_shared>> -> memref<8192x32xf32, #tpu.memory_space<vmem_shared>>
    tpu.enqueue_indirect_dma source(%dma_start3A_174 : memref<8192x32xf32, #tpu.memory_space<vmem_shared>>) target(%arg8 : memref<1600x32xf32, #tpu.memory_space<vmem>>) offsets(%arg6 : memref<1600xi32, #tpu.memory_space<vmem>>) semaphore(%arg10 : memref<!tpu.dma_semaphore, #tpu.memory_space<semaphore_mem>>)
    %dma_wait3A_175 = arith.constant 0 : i32
    %dma_wait3A_176 = arith.constant 0 : i32
    %dma_wait3A_177 = tpu.memref_slice %arg5[%dma_wait3A_175, %dma_wait3A_176] : memref<8192x32xf32, #tpu.memory_space<vmem_shared>> -> memref<8192x32xf32, #tpu.memory_space<vmem_shared>>
    tpu.wait_indirect_dma semaphore(%arg11 : memref<!tpu.dma_semaphore, #tpu.memory_space<semaphore_mem>>) src(%dma_wait3A_177 : memref<8192x32xf32, #tpu.memory_space<vmem_shared>>) dst(%arg9 : memref<1600x32xf32, #tpu.memory_space<vmem>>)
    %add3A_178 = arith.constant 14400 : i32
    %add3A_179 = arith.addi %mul3A_2, %add3A_178 : i32
    %dma_start3A_180 = arith.constant 0 : i32
    %dma_start3A_181 = tpu.memref_slice %arg4[%add3A_179, %dma_start3A_180] : memref<819200x32xf32, #tpu.memory_space<hbm>> -> memref<1600x32xf32, #tpu.memory_space<hbm>>
    %dma_start3A_182 = arith.constant 0 : i32
    %dma_start3A_183 = tpu.memref_slice %arg4[%add3A_179, %dma_start3A_182] : memref<819200x32xf32, #tpu.memory_space<hbm>> -> memref<1600x32xf32, #tpu.memory_space<hbm>>
    tpu.enqueue_dma source(%arg9 : memref<1600x32xf32, #tpu.memory_space<vmem>>) target(%dma_start3A_183 : memref<1600x32xf32, #tpu.memory_space<hbm>>) target_semaphore(%arg13 : memref<!tpu.dma_semaphore, #tpu.memory_space<semaphore_mem>>)
    %dma_wait3A_184 = arith.constant 0 : i32
    %dma_wait3A_185 = tpu.memref_slice %arg4[%add3A_179, %dma_wait3A_184] : memref<819200x32xf32, #tpu.memory_space<hbm>> -> memref<1600x32xf32, #tpu.memory_space<hbm>>
    %dma_wait3A_186 = arith.constant 0 : i32
    %dma_wait3A_187 = tpu.memref_slice %arg4[%add3A_179, %dma_wait3A_186] : memref<819200x32xf32, #tpu.memory_space<hbm>> -> memref<1600x32xf32, #tpu.memory_space<hbm>>
    tpu.wait_dma2 semaphore(%arg13 : memref<!tpu.dma_semaphore, #tpu.memory_space<semaphore_mem>>) src(%arg9 : memref<1600x32xf32, #tpu.memory_space<vmem>>) dst(%dma_wait3A_187 : memref<1600x32xf32, #tpu.memory_space<hbm>>)
    %add3A_188 = arith.constant 17600 : i32
    %add3A_189 = arith.addi %mul3A_2, %add3A_188 : i32
    "tpu.region"() ({
      %run_scoped3A = tpu.sem_alloc : memref<!tpu.dma_semaphore, #tpu.memory_space<semaphore_mem>>
      %dma_start3A_291 = tpu.memref_slice %arg2[%add3A_189] : memref<819200xi32, #tpu.memory_space<hbm>> -> memref<1600xi32, #tpu.memory_space<hbm>>
      %dma_start3A_292 = tpu.memref_slice %arg2[%add3A_189] : memref<819200xi32, #tpu.memory_space<hbm>> -> memref<1600xi32, #tpu.memory_space<hbm>>
      tpu.enqueue_dma source(%dma_start3A_292 : memref<1600xi32, #tpu.memory_space<hbm>>) target(%arg7 : memref<1600xi32, #tpu.memory_space<vmem>>) target_semaphore(%run_scoped3A : memref<!tpu.dma_semaphore, #tpu.memory_space<semaphore_mem>>)
      %dma_wait3A_293 = tpu.memref_slice %arg2[%add3A_189] : memref<819200xi32, #tpu.memory_space<hbm>> -> memref<1600xi32, #tpu.memory_space<hbm>>
      %dma_wait3A_294 = tpu.memref_slice %arg2[%add3A_189] : memref<819200xi32, #tpu.memory_space<hbm>> -> memref<1600xi32, #tpu.memory_space<hbm>>
      tpu.wait_dma2 semaphore(%run_scoped3A : memref<!tpu.dma_semaphore, #tpu.memory_space<semaphore_mem>>) src(%dma_wait3A_294 : memref<1600xi32, #tpu.memory_space<hbm>>) dst(%arg7 : memref<1600xi32, #tpu.memory_space<vmem>>)
      tpu.yield
    }) : () -> ()
    %dma_start3A_190 = arith.constant 0 : i32
    %dma_start3A_191 = arith.constant 0 : i32
    %dma_start3A_192 = tpu.memref_slice %arg5[%dma_start3A_190, %dma_start3A_191] : memref<8192x32xf32, #tpu.memory_space<vmem_shared>> -> memref<8192x32xf32, #tpu.memory_space<vmem_shared>>
    tpu.enqueue_indirect_dma source(%dma_start3A_192 : memref<8192x32xf32, #tpu.memory_space<vmem_shared>>) target(%arg9 : memref<1600x32xf32, #tpu.memory_space<vmem>>) offsets(%arg7 : memref<1600xi32, #tpu.memory_space<vmem>>) semaphore(%arg11 : memref<!tpu.dma_semaphore, #tpu.memory_space<semaphore_mem>>)
    %dma_wait3A_193 = arith.constant 0 : i32
    %dma_wait3A_194 = arith.constant 0 : i32
    %dma_wait3A_195 = tpu.memref_slice %arg5[%dma_wait3A_193, %dma_wait3A_194] : memref<8192x32xf32, #tpu.memory_space<vmem_shared>> -> memref<8192x32xf32, #tpu.memory_space<vmem_shared>>
    tpu.wait_indirect_dma semaphore(%arg10 : memref<!tpu.dma_semaphore, #tpu.memory_space<semaphore_mem>>) src(%dma_wait3A_195 : memref<8192x32xf32, #tpu.memory_space<vmem_shared>>) dst(%arg8 : memref<1600x32xf32, #tpu.memory_space<vmem>>)
    %add3A_196 = arith.constant 16000 : i32
    %add3A_197 = arith.addi %mul3A_2, %add3A_196 : i32
    %dma_start3A_198 = arith.constant 0 : i32
    %dma_start3A_199 = tpu.memref_slice %arg4[%add3A_197, %dma_start3A_198] : memref<819200x32xf32, #tpu.memory_space<hbm>> -> memref<1600x32xf32, #tpu.memory_space<hbm>>
    %dma_start3A_200 = arith.constant 0 : i32
    %dma_start3A_201 = tpu.memref_slice %arg4[%add3A_197, %dma_start3A_200] : memref<819200x32xf32, #tpu.memory_space<hbm>> -> memref<1600x32xf32, #tpu.memory_space<hbm>>
    tpu.enqueue_dma source(%arg8 : memref<1600x32xf32, #tpu.memory_space<vmem>>) target(%dma_start3A_201 : memref<1600x32xf32, #tpu.memory_space<hbm>>) target_semaphore(%arg12 : memref<!tpu.dma_semaphore, #tpu.memory_space<semaphore_mem>>)
    %dma_wait3A_202 = arith.constant 0 : i32
    %dma_wait3A_203 = tpu.memref_slice %arg4[%add3A_197, %dma_wait3A_202] : memref<819200x32xf32, #tpu.memory_space<hbm>> -> memref<1600x32xf32, #tpu.memory_space<hbm>>
    %dma_wait3A_204 = arith.constant 0 : i32
    %dma_wait3A_205 = tpu.memref_slice %arg4[%add3A_197, %dma_wait3A_204] : memref<819200x32xf32, #tpu.memory_space<hbm>> -> memref<1600x32xf32, #tpu.memory_space<hbm>>
    tpu.wait_dma2 semaphore(%arg12 : memref<!tpu.dma_semaphore, #tpu.memory_space<semaphore_mem>>) src(%arg8 : memref<1600x32xf32, #tpu.memory_space<vmem>>) dst(%dma_wait3A_205 : memref<1600x32xf32, #tpu.memory_space<hbm>>)
    %add3A_206 = arith.constant 19200 : i32
    %add3A_207 = arith.addi %mul3A_2, %add3A_206 : i32
    "tpu.region"() ({
      %run_scoped3A = tpu.sem_alloc : memref<!tpu.dma_semaphore, #tpu.memory_space<semaphore_mem>>
      %dma_start3A_291 = tpu.memref_slice %arg2[%add3A_207] : memref<819200xi32, #tpu.memory_space<hbm>> -> memref<1600xi32, #tpu.memory_space<hbm>>
      %dma_start3A_292 = tpu.memref_slice %arg2[%add3A_207] : memref<819200xi32, #tpu.memory_space<hbm>> -> memref<1600xi32, #tpu.memory_space<hbm>>
      tpu.enqueue_dma source(%dma_start3A_292 : memref<1600xi32, #tpu.memory_space<hbm>>) target(%arg6 : memref<1600xi32, #tpu.memory_space<vmem>>) target_semaphore(%run_scoped3A : memref<!tpu.dma_semaphore, #tpu.memory_space<semaphore_mem>>)
      %dma_wait3A_293 = tpu.memref_slice %arg2[%add3A_207] : memref<819200xi32, #tpu.memory_space<hbm>> -> memref<1600xi32, #tpu.memory_space<hbm>>
      %dma_wait3A_294 = tpu.memref_slice %arg2[%add3A_207] : memref<819200xi32, #tpu.memory_space<hbm>> -> memref<1600xi32, #tpu.memory_space<hbm>>
      tpu.wait_dma2 semaphore(%run_scoped3A : memref<!tpu.dma_semaphore, #tpu.memory_space<semaphore_mem>>) src(%dma_wait3A_294 : memref<1600xi32, #tpu.memory_space<hbm>>) dst(%arg6 : memref<1600xi32, #tpu.memory_space<vmem>>)
      tpu.yield
    }) : () -> ()
    %dma_start3A_208 = arith.constant 0 : i32
    %dma_start3A_209 = arith.constant 0 : i32
    %dma_start3A_210 = tpu.memref_slice %arg5[%dma_start3A_208, %dma_start3A_209] : memref<8192x32xf32, #tpu.memory_space<vmem_shared>> -> memref<8192x32xf32, #tpu.memory_space<vmem_shared>>
    tpu.enqueue_indirect_dma source(%dma_start3A_210 : memref<8192x32xf32, #tpu.memory_space<vmem_shared>>) target(%arg8 : memref<1600x32xf32, #tpu.memory_space<vmem>>) offsets(%arg6 : memref<1600xi32, #tpu.memory_space<vmem>>) semaphore(%arg10 : memref<!tpu.dma_semaphore, #tpu.memory_space<semaphore_mem>>)
    %dma_wait3A_211 = arith.constant 0 : i32
    %dma_wait3A_212 = arith.constant 0 : i32
    %dma_wait3A_213 = tpu.memref_slice %arg5[%dma_wait3A_211, %dma_wait3A_212] : memref<8192x32xf32, #tpu.memory_space<vmem_shared>> -> memref<8192x32xf32, #tpu.memory_space<vmem_shared>>
    tpu.wait_indirect_dma semaphore(%arg11 : memref<!tpu.dma_semaphore, #tpu.memory_space<semaphore_mem>>) src(%dma_wait3A_213 : memref<8192x32xf32, #tpu.memory_space<vmem_shared>>) dst(%arg9 : memref<1600x32xf32, #tpu.memory_space<vmem>>)
    %add3A_214 = arith.constant 17600 : i32
    %add3A_215 = arith.addi %mul3A_2, %add3A_214 : i32
    %dma_start3A_216 = arith.constant 0 : i32
    %dma_start3A_217 = tpu.memref_slice %arg4[%add3A_215, %dma_start3A_216] : memref<819200x32xf32, #tpu.memory_space<hbm>> -> memref<1600x32xf32, #tpu.memory_space<hbm>>
    %dma_start3A_218 = arith.constant 0 : i32
    %dma_start3A_219 = tpu.memref_slice %arg4[%add3A_215, %dma_start3A_218] : memref<819200x32xf32, #tpu.memory_space<hbm>> -> memref<1600x32xf32, #tpu.memory_space<hbm>>
    tpu.enqueue_dma source(%arg9 : memref<1600x32xf32, #tpu.memory_space<vmem>>) target(%dma_start3A_219 : memref<1600x32xf32, #tpu.memory_space<hbm>>) target_semaphore(%arg13 : memref<!tpu.dma_semaphore, #tpu.memory_space<semaphore_mem>>)
    %dma_wait3A_220 = arith.constant 0 : i32
    %dma_wait3A_221 = tpu.memref_slice %arg4[%add3A_215, %dma_wait3A_220] : memref<819200x32xf32, #tpu.memory_space<hbm>> -> memref<1600x32xf32, #tpu.memory_space<hbm>>
    %dma_wait3A_222 = arith.constant 0 : i32
    %dma_wait3A_223 = tpu.memref_slice %arg4[%add3A_215, %dma_wait3A_222] : memref<819200x32xf32, #tpu.memory_space<hbm>> -> memref<1600x32xf32, #tpu.memory_space<hbm>>
    tpu.wait_dma2 semaphore(%arg13 : memref<!tpu.dma_semaphore, #tpu.memory_space<semaphore_mem>>) src(%arg9 : memref<1600x32xf32, #tpu.memory_space<vmem>>) dst(%dma_wait3A_223 : memref<1600x32xf32, #tpu.memory_space<hbm>>)
    %add3A_224 = arith.constant 20800 : i32
    %add3A_225 = arith.addi %mul3A_2, %add3A_224 : i32
    "tpu.region"() ({
      %run_scoped3A = tpu.sem_alloc : memref<!tpu.dma_semaphore, #tpu.memory_space<semaphore_mem>>
      %dma_start3A_291 = tpu.memref_slice %arg2[%add3A_225] : memref<819200xi32, #tpu.memory_space<hbm>> -> memref<1600xi32, #tpu.memory_space<hbm>>
      %dma_start3A_292 = tpu.memref_slice %arg2[%add3A_225] : memref<819200xi32, #tpu.memory_space<hbm>> -> memref<1600xi32, #tpu.memory_space<hbm>>
      tpu.enqueue_dma source(%dma_start3A_292 : memref<1600xi32, #tpu.memory_space<hbm>>) target(%arg7 : memref<1600xi32, #tpu.memory_space<vmem>>) target_semaphore(%run_scoped3A : memref<!tpu.dma_semaphore, #tpu.memory_space<semaphore_mem>>)
      %dma_wait3A_293 = tpu.memref_slice %arg2[%add3A_225] : memref<819200xi32, #tpu.memory_space<hbm>> -> memref<1600xi32, #tpu.memory_space<hbm>>
      %dma_wait3A_294 = tpu.memref_slice %arg2[%add3A_225] : memref<819200xi32, #tpu.memory_space<hbm>> -> memref<1600xi32, #tpu.memory_space<hbm>>
      tpu.wait_dma2 semaphore(%run_scoped3A : memref<!tpu.dma_semaphore, #tpu.memory_space<semaphore_mem>>) src(%dma_wait3A_294 : memref<1600xi32, #tpu.memory_space<hbm>>) dst(%arg7 : memref<1600xi32, #tpu.memory_space<vmem>>)
      tpu.yield
    }) : () -> ()
    %dma_start3A_226 = arith.constant 0 : i32
    %dma_start3A_227 = arith.constant 0 : i32
    %dma_start3A_228 = tpu.memref_slice %arg5[%dma_start3A_226, %dma_start3A_227] : memref<8192x32xf32, #tpu.memory_space<vmem_shared>> -> memref<8192x32xf32, #tpu.memory_space<vmem_shared>>
    tpu.enqueue_indirect_dma source(%dma_start3A_228 : memref<8192x32xf32, #tpu.memory_space<vmem_shared>>) target(%arg9 : memref<1600x32xf32, #tpu.memory_space<vmem>>) offsets(%arg7 : memref<1600xi32, #tpu.memory_space<vmem>>) semaphore(%arg11 : memref<!tpu.dma_semaphore, #tpu.memory_space<semaphore_mem>>)
    %dma_wait3A_229 = arith.constant 0 : i32
    %dma_wait3A_230 = arith.constant 0 : i32
    %dma_wait3A_231 = tpu.memref_slice %arg5[%dma_wait3A_229, %dma_wait3A_230] : memref<8192x32xf32, #tpu.memory_space<vmem_shared>> -> memref<8192x32xf32, #tpu.memory_space<vmem_shared>>
    tpu.wait_indirect_dma semaphore(%arg10 : memref<!tpu.dma_semaphore, #tpu.memory_space<semaphore_mem>>) src(%dma_wait3A_231 : memref<8192x32xf32, #tpu.memory_space<vmem_shared>>) dst(%arg8 : memref<1600x32xf32, #tpu.memory_space<vmem>>)
    %add3A_232 = arith.constant 19200 : i32
    %add3A_233 = arith.addi %mul3A_2, %add3A_232 : i32
    %dma_start3A_234 = arith.constant 0 : i32
    %dma_start3A_235 = tpu.memref_slice %arg4[%add3A_233, %dma_start3A_234] : memref<819200x32xf32, #tpu.memory_space<hbm>> -> memref<1600x32xf32, #tpu.memory_space<hbm>>
    %dma_start3A_236 = arith.constant 0 : i32
    %dma_start3A_237 = tpu.memref_slice %arg4[%add3A_233, %dma_start3A_236] : memref<819200x32xf32, #tpu.memory_space<hbm>> -> memref<1600x32xf32, #tpu.memory_space<hbm>>
    tpu.enqueue_dma source(%arg8 : memref<1600x32xf32, #tpu.memory_space<vmem>>) target(%dma_start3A_237 : memref<1600x32xf32, #tpu.memory_space<hbm>>) target_semaphore(%arg12 : memref<!tpu.dma_semaphore, #tpu.memory_space<semaphore_mem>>)
    %dma_wait3A_238 = arith.constant 0 : i32
    %dma_wait3A_239 = tpu.memref_slice %arg4[%add3A_233, %dma_wait3A_238] : memref<819200x32xf32, #tpu.memory_space<hbm>> -> memref<1600x32xf32, #tpu.memory_space<hbm>>
    %dma_wait3A_240 = arith.constant 0 : i32
    %dma_wait3A_241 = tpu.memref_slice %arg4[%add3A_233, %dma_wait3A_240] : memref<819200x32xf32, #tpu.memory_space<hbm>> -> memref<1600x32xf32, #tpu.memory_space<hbm>>
    tpu.wait_dma2 semaphore(%arg12 : memref<!tpu.dma_semaphore, #tpu.memory_space<semaphore_mem>>) src(%arg8 : memref<1600x32xf32, #tpu.memory_space<vmem>>) dst(%dma_wait3A_241 : memref<1600x32xf32, #tpu.memory_space<hbm>>)
    %add3A_242 = arith.constant 22400 : i32
    %add3A_243 = arith.addi %mul3A_2, %add3A_242 : i32
    "tpu.region"() ({
      %run_scoped3A = tpu.sem_alloc : memref<!tpu.dma_semaphore, #tpu.memory_space<semaphore_mem>>
      %dma_start3A_291 = tpu.memref_slice %arg2[%add3A_243] : memref<819200xi32, #tpu.memory_space<hbm>> -> memref<1600xi32, #tpu.memory_space<hbm>>
      %dma_start3A_292 = tpu.memref_slice %arg2[%add3A_243] : memref<819200xi32, #tpu.memory_space<hbm>> -> memref<1600xi32, #tpu.memory_space<hbm>>
      tpu.enqueue_dma source(%dma_start3A_292 : memref<1600xi32, #tpu.memory_space<hbm>>) target(%arg6 : memref<1600xi32, #tpu.memory_space<vmem>>) target_semaphore(%run_scoped3A : memref<!tpu.dma_semaphore, #tpu.memory_space<semaphore_mem>>)
      %dma_wait3A_293 = tpu.memref_slice %arg2[%add3A_243] : memref<819200xi32, #tpu.memory_space<hbm>> -> memref<1600xi32, #tpu.memory_space<hbm>>
      %dma_wait3A_294 = tpu.memref_slice %arg2[%add3A_243] : memref<819200xi32, #tpu.memory_space<hbm>> -> memref<1600xi32, #tpu.memory_space<hbm>>
      tpu.wait_dma2 semaphore(%run_scoped3A : memref<!tpu.dma_semaphore, #tpu.memory_space<semaphore_mem>>) src(%dma_wait3A_294 : memref<1600xi32, #tpu.memory_space<hbm>>) dst(%arg6 : memref<1600xi32, #tpu.memory_space<vmem>>)
      tpu.yield
    }) : () -> ()
    %dma_start3A_244 = arith.constant 0 : i32
    %dma_start3A_245 = arith.constant 0 : i32
    %dma_start3A_246 = tpu.memref_slice %arg5[%dma_start3A_244, %dma_start3A_245] : memref<8192x32xf32, #tpu.memory_space<vmem_shared>> -> memref<8192x32xf32, #tpu.memory_space<vmem_shared>>
    tpu.enqueue_indirect_dma source(%dma_start3A_246 : memref<8192x32xf32, #tpu.memory_space<vmem_shared>>) target(%arg8 : memref<1600x32xf32, #tpu.memory_space<vmem>>) offsets(%arg6 : memref<1600xi32, #tpu.memory_space<vmem>>) semaphore(%arg10 : memref<!tpu.dma_semaphore, #tpu.memory_space<semaphore_mem>>)
    %dma_wait3A_247 = arith.constant 0 : i32
    %dma_wait3A_248 = arith.constant 0 : i32
    %dma_wait3A_249 = tpu.memref_slice %arg5[%dma_wait3A_247, %dma_wait3A_248] : memref<8192x32xf32, #tpu.memory_space<vmem_shared>> -> memref<8192x32xf32, #tpu.memory_space<vmem_shared>>
    tpu.wait_indirect_dma semaphore(%arg11 : memref<!tpu.dma_semaphore, #tpu.memory_space<semaphore_mem>>) src(%dma_wait3A_249 : memref<8192x32xf32, #tpu.memory_space<vmem_shared>>) dst(%arg9 : memref<1600x32xf32, #tpu.memory_space<vmem>>)
    %add3A_250 = arith.constant 20800 : i32
    %add3A_251 = arith.addi %mul3A_2, %add3A_250 : i32
    %dma_start3A_252 = arith.constant 0 : i32
    %dma_start3A_253 = tpu.memref_slice %arg4[%add3A_251, %dma_start3A_252] : memref<819200x32xf32, #tpu.memory_space<hbm>> -> memref<1600x32xf32, #tpu.memory_space<hbm>>
    %dma_start3A_254 = arith.constant 0 : i32
    %dma_start3A_255 = tpu.memref_slice %arg4[%add3A_251, %dma_start3A_254] : memref<819200x32xf32, #tpu.memory_space<hbm>> -> memref<1600x32xf32, #tpu.memory_space<hbm>>
    tpu.enqueue_dma source(%arg9 : memref<1600x32xf32, #tpu.memory_space<vmem>>) target(%dma_start3A_255 : memref<1600x32xf32, #tpu.memory_space<hbm>>) target_semaphore(%arg13 : memref<!tpu.dma_semaphore, #tpu.memory_space<semaphore_mem>>)
    %dma_wait3A_256 = arith.constant 0 : i32
    %dma_wait3A_257 = tpu.memref_slice %arg4[%add3A_251, %dma_wait3A_256] : memref<819200x32xf32, #tpu.memory_space<hbm>> -> memref<1600x32xf32, #tpu.memory_space<hbm>>
    %dma_wait3A_258 = arith.constant 0 : i32
    %dma_wait3A_259 = tpu.memref_slice %arg4[%add3A_251, %dma_wait3A_258] : memref<819200x32xf32, #tpu.memory_space<hbm>> -> memref<1600x32xf32, #tpu.memory_space<hbm>>
    tpu.wait_dma2 semaphore(%arg13 : memref<!tpu.dma_semaphore, #tpu.memory_space<semaphore_mem>>) src(%arg9 : memref<1600x32xf32, #tpu.memory_space<vmem>>) dst(%dma_wait3A_259 : memref<1600x32xf32, #tpu.memory_space<hbm>>)
    %add3A_260 = arith.constant 24000 : i32
    %add3A_261 = arith.addi %mul3A_2, %add3A_260 : i32
    "tpu.region"() ({
      %run_scoped3A = tpu.sem_alloc : memref<!tpu.dma_semaphore, #tpu.memory_space<semaphore_mem>>
      %dma_start3A_291 = tpu.memref_slice %arg2[%add3A_261] : memref<819200xi32, #tpu.memory_space<hbm>> -> memref<1600xi32, #tpu.memory_space<hbm>>
      %dma_start3A_292 = tpu.memref_slice %arg2[%add3A_261] : memref<819200xi32, #tpu.memory_space<hbm>> -> memref<1600xi32, #tpu.memory_space<hbm>>
      tpu.enqueue_dma source(%dma_start3A_292 : memref<1600xi32, #tpu.memory_space<hbm>>) target(%arg7 : memref<1600xi32, #tpu.memory_space<vmem>>) target_semaphore(%run_scoped3A : memref<!tpu.dma_semaphore, #tpu.memory_space<semaphore_mem>>)
      %dma_wait3A_293 = tpu.memref_slice %arg2[%add3A_261] : memref<819200xi32, #tpu.memory_space<hbm>> -> memref<1600xi32, #tpu.memory_space<hbm>>
      %dma_wait3A_294 = tpu.memref_slice %arg2[%add3A_261] : memref<819200xi32, #tpu.memory_space<hbm>> -> memref<1600xi32, #tpu.memory_space<hbm>>
      tpu.wait_dma2 semaphore(%run_scoped3A : memref<!tpu.dma_semaphore, #tpu.memory_space<semaphore_mem>>) src(%dma_wait3A_294 : memref<1600xi32, #tpu.memory_space<hbm>>) dst(%arg7 : memref<1600xi32, #tpu.memory_space<vmem>>)
      tpu.yield
    }) : () -> ()
    %dma_start3A_262 = arith.constant 0 : i32
    %dma_start3A_263 = arith.constant 0 : i32
    %dma_start3A_264 = tpu.memref_slice %arg5[%dma_start3A_262, %dma_start3A_263] : memref<8192x32xf32, #tpu.memory_space<vmem_shared>> -> memref<8192x32xf32, #tpu.memory_space<vmem_shared>>
    tpu.enqueue_indirect_dma source(%dma_start3A_264 : memref<8192x32xf32, #tpu.memory_space<vmem_shared>>) target(%arg9 : memref<1600x32xf32, #tpu.memory_space<vmem>>) offsets(%arg7 : memref<1600xi32, #tpu.memory_space<vmem>>) semaphore(%arg11 : memref<!tpu.dma_semaphore, #tpu.memory_space<semaphore_mem>>)
    %dma_wait3A_265 = arith.constant 0 : i32
    %dma_wait3A_266 = arith.constant 0 : i32
    %dma_wait3A_267 = tpu.memref_slice %arg5[%dma_wait3A_265, %dma_wait3A_266] : memref<8192x32xf32, #tpu.memory_space<vmem_shared>> -> memref<8192x32xf32, #tpu.memory_space<vmem_shared>>
    tpu.wait_indirect_dma semaphore(%arg10 : memref<!tpu.dma_semaphore, #tpu.memory_space<semaphore_mem>>) src(%dma_wait3A_267 : memref<8192x32xf32, #tpu.memory_space<vmem_shared>>) dst(%arg8 : memref<1600x32xf32, #tpu.memory_space<vmem>>)
    %add3A_268 = arith.constant 22400 : i32
    %add3A_269 = arith.addi %mul3A_2, %add3A_268 : i32
    %dma_start3A_270 = arith.constant 0 : i32
    %dma_start3A_271 = tpu.memref_slice %arg4[%add3A_269, %dma_start3A_270] : memref<819200x32xf32, #tpu.memory_space<hbm>> -> memref<1600x32xf32, #tpu.memory_space<hbm>>
    %dma_start3A_272 = arith.constant 0 : i32
    %dma_start3A_273 = tpu.memref_slice %arg4[%add3A_269, %dma_start3A_272] : memref<819200x32xf32, #tpu.memory_space<hbm>> -> memref<1600x32xf32, #tpu.memory_space<hbm>>
    tpu.enqueue_dma source(%arg8 : memref<1600x32xf32, #tpu.memory_space<vmem>>) target(%dma_start3A_273 : memref<1600x32xf32, #tpu.memory_space<hbm>>) target_semaphore(%arg12 : memref<!tpu.dma_semaphore, #tpu.memory_space<semaphore_mem>>)
    %dma_wait3A_274 = arith.constant 0 : i32
    %dma_wait3A_275 = arith.constant 0 : i32
    %dma_wait3A_276 = tpu.memref_slice %arg5[%dma_wait3A_274, %dma_wait3A_275] : memref<8192x32xf32, #tpu.memory_space<vmem_shared>> -> memref<8192x32xf32, #tpu.memory_space<vmem_shared>>
    tpu.wait_indirect_dma semaphore(%arg11 : memref<!tpu.dma_semaphore, #tpu.memory_space<semaphore_mem>>) src(%dma_wait3A_276 : memref<8192x32xf32, #tpu.memory_space<vmem_shared>>) dst(%arg9 : memref<1600x32xf32, #tpu.memory_space<vmem>>)
    %add3A_277 = arith.constant 24000 : i32
    %add3A_278 = arith.addi %mul3A_2, %add3A_277 : i32
    %dma_start3A_279 = arith.constant 0 : i32
    %dma_start3A_280 = tpu.memref_slice %arg4[%add3A_278, %dma_start3A_279] : memref<819200x32xf32, #tpu.memory_space<hbm>> -> memref<1600x32xf32, #tpu.memory_space<hbm>>
    %dma_start3A_281 = arith.constant 0 : i32
    %dma_start3A_282 = tpu.memref_slice %arg4[%add3A_278, %dma_start3A_281] : memref<819200x32xf32, #tpu.memory_space<hbm>> -> memref<1600x32xf32, #tpu.memory_space<hbm>>
    tpu.enqueue_dma source(%arg9 : memref<1600x32xf32, #tpu.memory_space<vmem>>) target(%dma_start3A_282 : memref<1600x32xf32, #tpu.memory_space<hbm>>) target_semaphore(%arg13 : memref<!tpu.dma_semaphore, #tpu.memory_space<semaphore_mem>>)
    %dma_wait3A_283 = arith.constant 0 : i32
    %dma_wait3A_284 = tpu.memref_slice %arg4[%add3A_269, %dma_wait3A_283] : memref<819200x32xf32, #tpu.memory_space<hbm>> -> memref<1600x32xf32, #tpu.memory_space<hbm>>
    %dma_wait3A_285 = arith.constant 0 : i32
    %dma_wait3A_286 = tpu.memref_slice %arg4[%add3A_269, %dma_wait3A_285] : memref<819200x32xf32, #tpu.memory_space<hbm>> -> memref<1600x32xf32, #tpu.memory_space<hbm>>
    tpu.wait_dma2 semaphore(%arg12 : memref<!tpu.dma_semaphore, #tpu.memory_space<semaphore_mem>>) src(%arg8 : memref<1600x32xf32, #tpu.memory_space<vmem>>) dst(%dma_wait3A_286 : memref<1600x32xf32, #tpu.memory_space<hbm>>)
    %dma_wait3A_287 = arith.constant 0 : i32
    %dma_wait3A_288 = tpu.memref_slice %arg4[%add3A_278, %dma_wait3A_287] : memref<819200x32xf32, #tpu.memory_space<hbm>> -> memref<1600x32xf32, #tpu.memory_space<hbm>>
    %dma_wait3A_289 = arith.constant 0 : i32
    %dma_wait3A_290 = tpu.memref_slice %arg4[%add3A_278, %dma_wait3A_289] : memref<819200x32xf32, #tpu.memory_space<hbm>> -> memref<1600x32xf32, #tpu.memory_space<hbm>>
    tpu.wait_dma2 semaphore(%arg13 : memref<!tpu.dma_semaphore, #tpu.memory_space<semaphore_mem>>) src(%arg9 : memref<1600x32xf32, #tpu.memory_space<vmem>>) dst(%dma_wait3A_290 : memref<1600x32xf32, #tpu.memory_space<hbm>>)
    return
  }
}

</mosaic_0001>

<sc_bundles>
// kernel: kernel.3.cloned.1.call-start
scs
__scs_entry_jumppad:
0x0: {  	(pc) =	sbr.rel $0x88, $3  }
0x1: {  	(tag) =	ssettag $0x0;
	lr =	simm.s32 $0x1  }
0x2: {  	[smem:$0x3F9F] =	sst lr;
	_ =	strace $0xD0000000  }
0x3: {  	_ = 	snop  }
0x4: {  	_ = 	snop  }
0x5: {  	_ = 	snop  }
0x6: {  	_ = 	snop  }
0x7: {  	_ = 	snop  }
__scs_overlays_trampoline_lowered:
0x8: {  	[smem:$0x3FAE] =	sst s0  }
0x9: {  	[smem:$0x3FAF] =	sst s1  }
0xa: {  	[smem:$0x3FB0] =	sst s2  }
0xb: {  	[smem:$0x3FB1] =	sst s3  }
0xc: {  	[smem:$0x3FB2] =	sst s4  }
0xd: {  	[smem:$0x3FB3] =	sst s5  }
0xe: {  	[smem:$0x3FB4] =	sst s6  }
0xf: {  	[smem:$0x3FB5] =	sst s7  }
0x10: {  	[smem:$0x3FB6] =	sst s8  }
0x11: {  	[smem:$0x3FB7] =	sst s9;
	s0 =	simm.s32 @!p0 $0x0  }
0x12: {  	s1 =	sld [smem:$0x3F9D];
	s0 =	simm.s32 @p0 $0x1  }
0x13: {  	[smem:$0x3FB8] =	sst s0;
	s0 =	simm.s32 @!p1 $0x0  }
0x14: {  	s2 =	sld [smem:$0x3F9C];
	s0 =	simm.s32 @p1 $0x1  }
0x15: {  	[smem:$0x3FB9] =	sst s0;
	s0 =	simm.s32 @!p2 $0x0  }
0x16: {  	s3 =	sld [smem:$0x3FDB];
	s0 =	simm.s32 @p2 $0x1  }
0x17: {  	s4 =	simm.s32 $0x1BF5;
	[smem:$0x3FBB] =	sst s0  }
0x18: {  	s0 =	sld [smem:$0x3F9E];
	_ =	swait.ge [sflag:s4], $0x0  }
0x19: {  	s7 =	sld [smem:$0x3F9F]  }
0x1a: {  	s8 =	sadd.s32 $0xFFFFE003, lr  }
0x1b: {  	s9 =	sadd.s32 $0xFFFFFEF7, lr;
	s5 =	simm.s32 $0xFFFFFFFF;
	p2 =	slt.u32 s8, $0xFFFFF086  }
0x1c: {  	p1 =	slt.u32 s9, $0xF7A;
	s5 =	simm.s32 @!p2 $0x0  }
0x1d: {  	s5 =	simm.s32 @p1 $0x1;
	p0 =	seq.s32 s7, s2  }
0x1e: {  	s7 =	smul.u32 @!p0 $0xF7A, s2;
	p2 =	seq.s32 @!p0 s5, $0x0  }
0x1f: {  	s9 =	smul.u32 $0xF7A, s1;
	s8 =	simm.s32 @!p0 $0x1BF5;
	p2 =	por !p2, p0  }
0x20: {  	[sflag:s8] =	ssyncset.s32 @!p0 $0xFFFFF086;
	s6 =	sadd.s32 @!p0 s3, s7;
	s7 =	simm.s32 @!p0 $0x108  }
0x21: {  	s3 =	sadd.s32 s3, s9;
	s6 =	sadd.s32 @!p0 $0x88, s6;
	s7 =	simm.s32 @p2 $0x1082  }
0x22: {  	[simem:s7], [sflag:s8] =	dma.local @!p0 [hbm:s6], $0xF7A  }
0x23: {  	s9 =	sor.u32 $0xD0000000, s2;
	s6 =	simm.s32 $0x108;
	_ =	swait.ge @!p0 [sflag:s8], $0x0  }
0x24: {  	s3 =	sadd.s32 $0x88, s3;
	s6 =	simm.s32 @!p1 $0x1082;
	[sflag:s4] =	ssyncset.s32 $0xFFFFF086  }
0x25: {  	[simem:s6], [sflag:s4] =	dma.local [hbm:s3], $0xF7A  }
0x26: {  	[smem:$0x3F9F] =	sst s1;
	(tag) =	ssettag s2;
	_ =	strace s9  }
0x27: {  	s1 =	sld [smem:$0x3FAF]  }
0x28: {  	s2 =	sld [smem:$0x3FB0]  }
0x29: {  	s4 =	sld [smem:$0x3FB2]  }
0x2a: {  	p0 =	seq.s32 s5, $0x0;
	s5 =	sld [smem:$0x3FB3]  }
0x2b: {  	s6 =	sld [smem:$0x3FB4]  }
0x2c: {  	s7 =	sld [smem:$0x3FB5]  }
0x2d: {  	s3 =	simm.s32 $0x108;
	s8 =	sld [smem:$0x3FB6]  }
0x2e: {  	s3 =	simm.s32 @!p0 $0x1082;
	s9 =	sld [smem:$0x3FB7]  }
0x2f: {  	lr =	sadd.s32 s0, s3;
	s0 =	sld [smem:$0x3FAE]  }
0x30: {  	s3 =	sld [smem:$0x3FB1]  }
0x31: {  	[smem:$0x3FBA] =	sst s10  }
0x32: {  	s10 =	sld [smem:$0x3FB8];
	_ =	sdelay $0x3  }
0x33: {  	p0 =	seq.s32 s10, $0x1;
	s10 =	sld [smem:$0x3FBA];
	_ =	sdelay $0x3  }
0x34: {  	[smem:$0x3FBA] =	sst s10  }
0x35: {  	s10 =	sld [smem:$0x3FB9];
	_ =	sdelay $0x3  }
0x36: {  	p1 =	seq.s32 s10, $0x1;
	s10 =	sld [smem:$0x3FBA];
	_ =	sdelay $0x3  }
0x37: {  	[smem:$0x3FBA] =	sst s10  }
0x38: {  	s10 =	sld [smem:$0x3FBB]  }
0x39: {  	_ = 	snop;
	(pc) =	sbr.ind lr, $3  }
0x3a: {  	_ = 	snop  }
0x3b: {  	_ = 	snop  }
0x3c: {  	p2 =	seq.s32 s10, $0x1;
	s10 =	sld [smem:$0x3FBA]  }
0x3d: {  	_ =	shalt  }
0x3e: {  	_ =	shalt  }
0x3f: {  	_ =	shalt  }
0x40: {  	_ =	shalt  }
0x41: {  	_ =	shalt  }
0x42: {  	_ =	shalt  }
0x43: {  	_ =	shalt  }
0x44: {  	_ =	shalt  }
0x45: {  	_ =	shalt  }
0x46: {  	_ =	shalt  }
0x47: {  	_ =	shalt  }
0x48: {  	_ =	shalt  }
0x49: {  	_ =	shalt  }
0x4a: {  	_ =	shalt  }
0x4b: {  	_ =	shalt  }
0x4c: {  	_ =	shalt  }
0x4d: {  	_ =	shalt  }
0x4e: {  	_ =	shalt  }
0x4f: {  	_ =	shalt  }
0x50: {  	_ =	shalt  }
0x51: {  	_ =	shalt  }
0x52: {  	_ =	shalt  }
0x53: {  	_ =	shalt  }
0x54: {  	_ =	shalt  }
0x55: {  	_ =	shalt  }
0x56: {  	_ =	shalt  }
0x57: {  	_ =	shalt  }
0x58: {  	_ =	shalt  }
0x59: {  	_ =	shalt  }
0x5a: {  	_ =	shalt  }
0x5b: {  	_ =	shalt  }
0x5c: {  	_ =	shalt  }
0x5d: {  	_ =	shalt  }
0x5e: {  	_ =	shalt  }
0x5f: {  	_ =	shalt  }
0x60: {  	_ =	shalt  }
0x61: {  	_ =	shalt  }
0x62: {  	_ =	shalt  }
0x63: {  	_ =	shalt  }
0x64: {  	_ =	shalt  }
0x65: {  	_ =	shalt  }
0x66: {  	_ =	shalt  }
0x67: {  	_ =	shalt  }
0x68: {  	_ =	shalt  }
0x69: {  	_ =	shalt  }
0x6a: {  	_ =	shalt  }
0x6b: {  	_ =	shalt  }
0x6c: {  	_ =	shalt  }
0x6d: {  	_ =	shalt  }
0x6e: {  	_ =	shalt  }
0x6f: {  	_ =	shalt  }
0x70: {  	_ =	shalt  }
0x71: {  	_ =	shalt  }
0x72: {  	_ =	shalt  }
0x73: {  	_ =	shalt  }
0x74: {  	_ =	shalt  }
0x75: {  	_ =	shalt  }
0x76: {  	_ =	shalt  }
0x77: {  	_ =	shalt  }
0x78: {  	_ =	shalt  }
0x79: {  	_ =	shalt  }
0x7a: {  	_ =	shalt  }
0x7b: {  	_ =	shalt  }
0x7c: {  	_ =	shalt  }
0x7d: {  	_ =	shalt  }
0x7e: {  	_ =	shalt  }
0x7f: {  	_ =	shalt  }
0x80: {  	_ =	shalt  }
0x81: {  	_ =	shalt  }
0x82: {  	_ =	shalt  }
0x83: {  	_ =	shalt  }
0x84: {  	_ =	shalt  }
0x85: {  	_ =	shalt  }
0x86: {  	_ =	shalt  }
0x87: {  	_ =	shalt  }
.Lfunc_end0:
.L_simem_size_0:
called_computation.1_lowered:
.L_overlay_start_0:
0x88: {  	s2 =	sld [smem:$0x3FD9]  }
0x89: {  	s3 =	sld [smem:$0x3FFE];
	_ =	sdelay $0x1  }
0x8a: {  	s1 =	srdreg.scid  }
0x8b: {  	s0 =	sand.u32 $0x1, s1  }
0x8c: {  	s17 =	sshll.u32 s0, $0xA;
	s2 =	sadd.s32 s3, s2  }
0x8d: {  	s2 =	sadd.s32 s2, s17  }
0x8e: {  	[smem:$0x3FC6] =	sst s2  }
0x8f: {  	_ = 	snop  }
0x90: {  	s2 =	sld [smem:$0x3FD0];
	(tm) =	ssettm $0x1  }
0x91: {  	s18 =	sld [smem:$0x3FFB];
	_ =	sdelay $0x3  }
0x92: {  	_ =	strace s18  }
0x93: {  	s3 =	sld [smem:$0x3FFC];
	_ =	sdelay $0x3  }
0x94: {  	_ =	strace s3  }
0x95: {  	s3 =	sld [smem:$0x3FFD];
	_ =	sdelay $0x3  }
0x96: {  	_ =	strace s3  }
0x97: {  	_ =	strace $0x8FFFFFFF  }
0x98: {  	s19 =	sld [smem:$0x3FDB];
	_ =	sdelay $0x1  }
0x99: {  	s4 =	simm.s32 $_scs_section_size  }
0x9a: {  	s5 =	simm.s32 $_size__tile_overlayer_lowered;
	s6 =	simm.s32 $_tile_overlayer_lowered  }
0x9b: {  	s22 =	simm.s32 $0x1BFF;
	s21 =	sshll.u32 s6, $0x1;
	s3 =	sadd.s32 s4, s19  }
0x9c: {  	s7 =	simm.s32 $0x0;
	s20 =	sshll.u32 s5, $0x1;
	s5 =	sadd.s32 s21, s3  }
0x9d: {  	[timem:s7], [sflag:s22] =	dma.local [hbm:s5], s20  }
0x9e: {  	_ =	swait.ge [sflag:s22], s20  }
0x9f: {  	s4 =	ssub.s32 $0x0, s20;
	[sflag:s22] =	ssyncset.done $0x0  }
0xa0: {  	[sflag:s22] =	ssyncadd.s32 s4;
	_ =	sdelay $0x1  }
0xa1: {  	s23 =	simm.s32 $0x1B8B  }
0xa2: {  	_ =	swait.ge [sflag:s23], $0x1  }
0xa3: {  	[sflag:s23] =	ssyncset.done $0x0  }
0xa4: {  	s25 =	simm.s32 $0x1B8E;
	s24 =	sld [smem:$0x3FFE];
	[sflag:s23] =	ssyncadd.s32 $0xFFFFFFFF  }
0xa5: {  	s26 =	simm.s32 $execute0_lowered;
	[smem:$0x3FD2] =	sst s25  }
0xa6: {  	s5 =	sshll.u32 s26, $0x1;
	_ =	strace $0x80000046;
	[dreg:$0x1] =	wrdreg $0xFFFFFFFF  }
0xa7: {  	s28 =	simm.s32 $_size_execute0_lowered;
	s3 =	sadd.s32 s3, s5;
	[dreg:$0x0] =	wrdreg $0x0  }
0xa8: {  	s5 =	sshll.u32 s28, $0x1;
	[dreg:$0x2] =	wrdreg s3  }
0xa9: {  	[dreg:$0x3] =	wrdreg s5  }
0xaa: {  	[dreg:$0x4] =	wrdreg $0xC0  }
0xab: {  	_ =	task [dreg:s7], $0x5FFFF  }
0xac: {  	[dreg:$0x1] =	wrdreg $0xFFFFFFFF  }
0xad: {  	[dreg:$0x0] =	wrdreg $0x60  }
0xae: {  	[dreg:$0x2] =	wrdreg s24  }
0xaf: {  	[dreg:$0x3] =	wrdreg s2  }
0xb0: {  	[dreg:$0x4] =	wrdreg $0x0  }
0xb1: {  	[dreg:$0x5] =	wrdreg $0x9  }
0xb2: {  	_ =	task.clear_ibuf [dreg:s7], $0x6FFFF;
	_ =	strace $0x90000046  }
0xb3: {  	s29 =	simm.s32 $0x9;
	_ =	strace $0x80000048  }
0xb4: {  	_ =	swait.ge [sflag:s29], $0x1  }
0xb5: {  	[sflag:s29] =	ssyncadd.s32 $0xFFFFFFFF  }
0xb6: {  	_ =	strace $0x90000048  }
0xb7: {  	_ =	sfence  }
0xb8: {  	s30 =	sld [smem:$0x0];
	_ =	sdelay $0x2  }
0xb9: {  	s31 =	sshll.u32 s1, $0xD;
	s1 =	sshrl.u32 s1, $0x2  }
0xba: {  	s3 =	sand.u32 $0x4000, s31;
	s1 =	sadd.s32 s1, s30  }
0xbb: {  	s0 =	sor.u32 s3, s0;
	s1 =	sshll.u32 s1, $0x11  }
0xbc: {  	s0 =	sor.u32 s1, s0  }
0xbd: {  	s0 =	sadd.s32 $0x8F2B, s0  }
0xbe: {  	[sflag:s0] =	ssyncadd.remote.s32 $0x1  }
0xbf: {  	_ =	sfence.sel $0xFFFF  }
0xc0: {  	[dreg:$0x0] =	wrdreg $0xFFFFFFFF;
	(pc) =	sbr.abs _section_cstart, $3  }
0xc1: {  	[dreg:$0x1] =	wrdreg $0xFFFFFFFF  }
0xc2: {  	_ =	task.clear_ibuf [dreg:s7], $0x2FFFF;
	_ =	strace $0x9FFFFFFF  }
0xc3: {  	(tm) =	ssettm $0x7FFFFFFF  }
tec
execute0_lowered:
.L_overlay_start_1:
0x0: {  	(tag) =	ssettag $0x1  }
0x1: {  	s7 =	rddreg [dreg:$0x0]  }
0x2: {  	s3 =	rddreg [dreg:$0x1]  }
0x3: {  	s0 =	srdreg.scid;
	s2 =	rddreg [dreg:$0x2]  }
0x4: {  	s6 =	stileid.u32;
	s30 =	rddreg [dreg:$0x3];
	s1 =	simm.s32 $0x0  }
0x5: {  	p1 =	por $0x0, $0x0;
	s8 =	sand.u32 $0x1, s0;
	s4 =	sshll.u32 s6, $0x1  }
0x6: {  	[smem:$0x7FF] =	sst s1;
	p0 =	sne.s32 s6, $0x0;
	s9 =	sor.u32 s8, s4  }
0x7: {  	s6 =	simm.s32 $0x11480;
	_ =	strace $0x80000047;
	s5 =	smul.u32 $0x6400, s9  }
0x8: {  	s4 =	sadd.s32 $0xA00, s7;
	s7 =	sadd.s32 $0x19A00, s7;
	s9 =	smul.u32 $0x19000, s9  }
0x9: {  	s8 =	ssub.s32 $0x2, s8;
	s28 =	sshrl.u32 @!p0 s2, $0x3;
	[dreg:$0x4] =	wrdreg s7  }
0xa: {  	s15 =	sshrl.u32 s5, $0x3;
	s10 =	sadd.s32 $0x640, s5;
	s17 =	sadd.s32 s3, s9  }
0xb: {  	s18 =	sadd.s32 $0xC80, s5;
	s20 =	sadd.s32 $0x12C0, s5;
	s25 =	sadd.s32 $0x1900, s5  }
0xc: {  	s0 =	sadd.s32 $0x1F40, s5;
	s7 =	sadd.s32 s4, s15;
	s11 =	sshrl.u32 s10, $0x3  }
0xd: {  	[dreg:$0x7] =	wrdreg s17;
	s19 =	sshrl.u32 s18, $0x3;
	s10 =	sshll.u32 s10, $0x2  }
0xe: {  	s22 =	sshrl.u32 s20, $0x3;
	s9 =	sshll.u32 s18, $0x2;
	s26 =	sshrl.u32 s25, $0x3  }
0xf: {  	s29 =	sshll.u32 s20, $0x2;
	[dreg:$0x5] =	wrdreg s7;
	s16 =	sadd.s32 s4, s11  }
0x10: {  	s13 =	sshrl.u32 s0, $0x3;
	s7 =	sadd.s32 s4, s19;
	[dreg:$0x6] =	wrdreg s16  }
0x11: {  	s18 =	sshll.u32 s0, $0x2;
	s21 =	sadd.s32 s3, s10;
	[dreg:$0x8] =	wrdreg s7  }
0x12: {  	s23 =	sadd.s32 s4, s22;
	s24 =	sadd.s32 s3, s9;
	[dreg:$0x9] =	wrdreg s21  }
0x13: {  	s12 =	sadd.s32 s3, s29;
	s14 =	sadd.s32 s4, s13;
	[dreg:$0xa] =	wrdreg s23  }
0x14: {  	s9 =	sshll.u32 s25, $0x2;
	s19 =	sadd.s32 $0x2BC0, s5;
	[dreg:$0xb] =	wrdreg s24  }
0x15: {  	s20 =	sadd.s32 s3, s18;
	s25 =	sshrl.u32 s8, $0x1;
	[dreg:$0xd] =	wrdreg s12  }
0x16: {  	s7 =	sadd.s32 s4, s26;
	[dreg:$0xe] =	wrdreg s14;
	s15 =	sadd.s32 s3, s9  }
0x17: {  	s16 =	sadd.s32 $0x2580, s5;
	s21 =	sshrl.u32 s19, $0x3;
	[dreg:$0x11] =	wrdreg s20  }
0x18: {  	s24 =	sadd.s32 $0x3200, s5;
	s11 =	sshll.u32 s19, $0x2;
	s12 =	sadd.s32 $0x3840, s5  }
0x19: {  	s8 =	ssub.s32 s8, s25;
	s14 =	sadd.s32 $0x3E80, s5;
	[dreg:$0xc] =	wrdreg s7  }
0x1a: {  	s19 =	sadd.s32 $0x4B00, s5;
	[dreg:$0xf] =	wrdreg s15;
	s17 =	sshrl.u32 s16, $0x3  }
0x1b: {  	s22 =	sadd.s32 s4, s21;
	s9 =	sshll.u32 s16, $0x2;
	s26 =	sshrl.u32 s24, $0x3  }
0x1c: {  	s29 =	sadd.s32 s3, s11;
	s0 =	sshrl.u32 s12, $0x3;
	s13 =	sshll.u32 s24, $0x2  }
0x1d: {  	s15 =	sshrl.u32 s14, $0x3;
	s16 =	sshll.u32 s12, $0x2;
	s12 =	sadd.s32 $0x5780, s5  }
0x1e: {  	s7 =	sadd.s32 s4, s17;
	[dreg:$0x12] =	wrdreg s22;
	s23 =	sadd.s32 s3, s9  }
0x1f: {  	[dreg:$0x15] =	wrdreg s29;
	s11 =	sadd.s32 s4, s0;
	s25 =	sadd.s32 s4, s15  }
0x20: {  	s17 =	sadd.s32 $0x44C0, s5;
	s9 =	sshll.u32 s14, $0x2;
	s29 =	sshrl.u32 s19, $0x3  }
0x21: {  	s0 =	sadd.s32 $0x5140, s5;
	s14 =	sadd.s32 $0x5DC0, s5;
	[dreg:$0x10] =	wrdreg s7  }
0x22: {  	s15 =	sshll.u32 s12, $0x2;
	[dreg:$0x13] =	wrdreg s23;
	s7 =	sadd.s32 s4, s26  }
0x23: {  	[dreg:$0x16] =	wrdreg s11;
	s26 =	sadd.s32 s3, s13;
	s23 =	sadd.s32 s3, s16  }
0x24: {  	s18 =	sshrl.u32 s17, $0x3;
	s22 =	sadd.s32 s3, s9;
	s21 =	sadd.s32 s4, s29  }
0x25: {  	s10 =	sshrl.u32 s0, $0x3;
	s11 =	sshll.u32 s19, $0x2;
	s13 =	sshrl.u32 s12, $0x3  }
0x26: {  	s9 =	sshll.u32 s0, $0x2;
	s5 =	sshrl.u32 s14, $0x3;
	s19 =	sshll.u32 s14, $0x2  }
0x27: {  	s29 =	smax.u32 s8, $0x1;
	s12 =	simm.s32 $0x640;
	s14 =	simm.s32 $0x4640  }
0x28: {  	s8 =	simm.s32 $0x4;
	[dreg:$0x14] =	wrdreg s7;
	s31 =	sadd.s32 $0xFFFFFFFF, s29  }
0x29: {  	s24 =	sadd.s32 s4, s18;
	s7 =	sshll.u32 s17, $0x2;
	p2 =	sne.s32 s31, $0x0  }
.Ltmp0:
0x2a: {  	s18 =	sadd.s32 s4, s10;
	s16 =	sadd.s32 s3, s11;
	(pc) =	sbr.rel @!p2 .LBB2_5-.Ltmp0, $4  }
0x2b: {  	s17 =	sadd.s32 s4, s13;
	s9 =	sadd.s32 s3, s9;
	s5 =	sadd.s32 s4, s5  }
0x2c: {  	s4 =	sadd.s32 s3, s15;
	s11 =	simm.s32 $0x5;
	s10 =	simm.s32 $0x4C80  }
0x2d: {  	s13 =	simm.s32 $0x1;
	s15 =	simm.s32 $0x2;
	s20 =	sadd.s32 s3, s7  }
0x2e: {  	s3 =	sadd.s32 s3, s19;
	s19 =	simm.s32 $0x4000;
	s7 =	simm.s32 $0x3  }
0x2f: {  	s0 =	rddreg [dreg:$0x4];
	s29 =	simm.s32 @!p0 $0x1C05;
	s30 =	simm.s32 @!p0 $0x5  }
0x30: {  	[spmem:s28], [sflag:s29] =	dma.local @!p0 [hbm:s0], $0x8000  }
0x31: {  	_ =	swait.ge @!p0 [sflag:s30], $0x8000  }
0x32: {  	[sflag:s30] =	ssyncset.done @!p0 $0x0  }
0x33: {  	[sflag:s30] =	ssyncadd.s32 @!p0 $0xFFFF8000  }
0x34: {  	[bflag:$0x0] =	sbarrier.arrive $0xFFFF  }
0x35: {  	s0 =	rddreg [dreg:$0x5]  }
0x36: {  	[tilespmem:s19], [sflag:$0x5] =	stream.linear.gather [hbm4b:s0+s1], $0x640, $0x38;
	[tilespmem:$0x1DC80] =	vst v63  }
0x37: {  	_ =	swait.ge [sflag:s11], $0x640  }
0x38: {  	[sflag:s11] =	ssyncset.done $0x0  }
0x39: {  	[sflag:s11] =	ssyncadd.s32 $0xFFFFF9C0  }
0x3a: {  	[tilespmem:s10], [sflag:$0x1] =	stream.indirect.gather [spmem:s2], $0x20, s19, s12, $0xb8;
	[tilespmem:$0x1DC80] =	vst v63  }
0x3b: {  	s0 =	rddreg [dreg:$0x6]  }
0x3c: {  	[tilespmem:s14], [sflag:$0x5] =	stream.linear.gather [hbm4b:s0+s1], $0x640, $0x38;
	[tilespmem:$0x1DC80] =	vst v63  }
0x3d: {  	_ =	swait.ge [sflag:s11], $0x640  }
0x3e: {  	[sflag:s11] =	ssyncset.done $0x0  }
0x3f: {  	[sflag:s11] =	ssyncadd.s32 $0xFFFFF9C0  }
0x40: {  	[tilespmem:s6], [sflag:$0x2] =	stream.indirect.gather [spmem:s2], $0x20, s14, s12, $0xb8;
	[tilespmem:$0x1DC80] =	vst v63  }
0x41: {  	_ =	swait.ge [sflag:s13], $0xC800  }
0x42: {  	[sflag:s13] =	ssyncset.done $0x0  }
0x43: {  	s0 =	rddreg [dreg:$0x7];
	[sflag:s13] =	ssyncadd.s32 $0xFFFF3800  }
0x44: {  	[hbm4b:s0+s1] =	stream.linear.scatter [tilespmem:s10], [sflag:$0x3], $0xC800, $0x38;
	[tilespmem:$0x1DC80] =	vst v63  }
0x45: {  	_ =	swait.ge [sflag:s7], $0xC800  }
0x46: {  	[sflag:s7] =	ssyncset.done $0x0  }
0x47: {  	s0 =	rddreg [dreg:$0x8];
	[sflag:s7] =	ssyncadd.s32 $0xFFFF3800  }
0x48: {  	[tilespmem:s19], [sflag:$0x5] =	stream.linear.gather [hbm4b:s0+s1], $0x640, $0x38;
	[tilespmem:$0x1DC80] =	vst v63  }
0x49: {  	_ =	swait.ge [sflag:s11], $0x640  }
0x4a: {  	[sflag:s11] =	ssyncset.done $0x0  }
0x4b: {  	[sflag:s11] =	ssyncadd.s32 $0xFFFFF9C0  }
0x4c: {  	[tilespmem:s10], [sflag:$0x1] =	stream.indirect.gather [spmem:s2], $0x20, s19, s12, $0xb8;
	[tilespmem:$0x1DC80] =	vst v63  }
0x4d: {  	_ =	swait.ge [sflag:s15], $0xC800  }
0x4e: {  	[sflag:s15] =	ssyncset.done $0x0  }
0x4f: {  	s0 =	rddreg [dreg:$0x9];
	[sflag:s15] =	ssyncadd.s32 $0xFFFF3800  }
0x50: {  	[hbm4b:s0+s1] =	stream.linear.scatter [tilespmem:s6], [sflag:$0x4], $0xC800, $0x38;
	[tilespmem:$0x1DC80] =	vst v63  }
0x51: {  	_ =	swait.ge [sflag:s8], $0xC800  }
0x52: {  	[sflag:s8] =	ssyncset.done $0x0  }
0x53: {  	s0 =	rddreg [dreg:$0xa];
	[sflag:s8] =	ssyncadd.s32 $0xFFFF3800  }
0x54: {  	[tilespmem:s14], [sflag:$0x5] =	stream.linear.gather [hbm4b:s0+s1], $0x640, $0x38;
	[tilespmem:$0x1DC80] =	vst v63  }
0x55: {  	_ =	swait.ge [sflag:s11], $0x640  }
0x56: {  	[sflag:s11] =	ssyncset.done $0x0  }
0x57: {  	[sflag:s11] =	ssyncadd.s32 $0xFFFFF9C0  }
0x58: {  	[tilespmem:s6], [sflag:$0x2] =	stream.indirect.gather [spmem:s2], $0x20, s14, s12, $0xb8;
	[tilespmem:$0x1DC80] =	vst v63  }
0x59: {  	_ =	swait.ge [sflag:s13], $0xC800  }
0x5a: {  	[sflag:s13] =	ssyncset.done $0x0  }
0x5b: {  	s0 =	rddreg [dreg:$0xb];
	[sflag:s13] =	ssyncadd.s32 $0xFFFF3800  }
0x5c: {  	[hbm4b:s0+s1] =	stream.linear.scatter [tilespmem:s10], [sflag:$0x3], $0xC800, $0x38;
	[tilespmem:$0x1DC80] =	vst v63  }
0x5d: {  	_ =	swait.ge [sflag:s7], $0xC800  }
0x5e: {  	[sflag:s7] =	ssyncset.done $0x0  }
0x5f: {  	s0 =	rddreg [dreg:$0xc];
	[sflag:s7] =	ssyncadd.s32 $0xFFFF3800  }
0x60: {  	[tilespmem:s19], [sflag:$0x5] =	stream.linear.gather [hbm4b:s0+s1], $0x640, $0x38;
	[tilespmem:$0x1DC80] =	vst v63  }
0x61: {  	_ =	swait.ge [sflag:s11], $0x640  }
0x62: {  	[sflag:s11] =	ssyncset.done $0x0  }
0x63: {  	[sflag:s11] =	ssyncadd.s32 $0xFFFFF9C0  }
0x64: {  	[tilespmem:s10], [sflag:$0x1] =	stream.indirect.gather [spmem:s2], $0x20, s19, s12, $0xb8;
	[tilespmem:$0x1DC80] =	vst v63  }
0x65: {  	_ =	swait.ge [sflag:s15], $0xC800  }
0x66: {  	[sflag:s15] =	ssyncset.done $0x0  }
0x67: {  	s0 =	rddreg [dreg:$0xd];
	[sflag:s15] =	ssyncadd.s32 $0xFFFF3800  }
0x68: {  	[hbm4b:s0+s1] =	stream.linear.scatter [tilespmem:s6], [sflag:$0x4], $0xC800, $0x38;
	[tilespmem:$0x1DC80] =	vst v63  }
0x69: {  	_ =	swait.ge [sflag:s8], $0xC800  }
0x6a: {  	[sflag:s8] =	ssyncset.done $0x0  }
0x6b: {  	s0 =	rddreg [dreg:$0xe];
	[sflag:s8] =	ssyncadd.s32 $0xFFFF3800  }
0x6c: {  	[tilespmem:s14], [sflag:$0x5] =	stream.linear.gather [hbm4b:s0+s1], $0x640, $0x38;
	[tilespmem:$0x1DC80] =	vst v63  }
0x6d: {  	_ =	swait.ge [sflag:s11], $0x640  }
0x6e: {  	[sflag:s11] =	ssyncset.done $0x0  }
0x6f: {  	[sflag:s11] =	ssyncadd.s32 $0xFFFFF9C0  }
0x70: {  	[tilespmem:s6], [sflag:$0x2] =	stream.indirect.gather [spmem:s2], $0x20, s14, s12, $0xb8;
	[tilespmem:$0x1DC80] =	vst v63  }
0x71: {  	_ =	swait.ge [sflag:s13], $0xC800  }
0x72: {  	[sflag:s13] =	ssyncset.done $0x0  }
0x73: {  	s0 =	rddreg [dreg:$0xf];
	[sflag:s13] =	ssyncadd.s32 $0xFFFF3800  }
0x74: {  	[hbm4b:s0+s1] =	stream.linear.scatter [tilespmem:s10], [sflag:$0x3], $0xC800, $0x38;
	[tilespmem:$0x1DC80] =	vst v63  }
0x75: {  	_ =	swait.ge [sflag:s7], $0xC800  }
0x76: {  	[sflag:s7] =	ssyncset.done $0x0  }
0x77: {  	s0 =	rddreg [dreg:$0x10];
	[sflag:s7] =	ssyncadd.s32 $0xFFFF3800  }
0x78: {  	[tilespmem:s19], [sflag:$0x5] =	stream.linear.gather [hbm4b:s0+s1], $0x640, $0x38;
	[tilespmem:$0x1DC80] =	vst v63  }
0x79: {  	_ =	swait.ge [sflag:s11], $0x640  }
0x7a: {  	[sflag:s11] =	ssyncset.done $0x0  }
0x7b: {  	[sflag:s11] =	ssyncadd.s32 $0xFFFFF9C0  }
0x7c: {  	[tilespmem:s10], [sflag:$0x1] =	stream.indirect.gather [spmem:s2], $0x20, s19, s12, $0xb8;
	[tilespmem:$0x1DC80] =	vst v63  }
0x7d: {  	_ =	swait.ge [sflag:s15], $0xC800  }
0x7e: {  	[sflag:s15] =	ssyncset.done $0x0  }
0x7f: {  	s0 =	rddreg [dreg:$0x11];
	[sflag:s15] =	ssyncadd.s32 $0xFFFF3800  }
0x80: {  	[hbm4b:s0+s1] =	stream.linear.scatter [tilespmem:s6], [sflag:$0x4], $0xC800, $0x38;
	[tilespmem:$0x1DC80] =	vst v63  }
0x81: {  	_ =	swait.ge [sflag:s8], $0xC800  }
0x82: {  	[sflag:s8] =	ssyncset.done $0x0  }
0x83: {  	s0 =	rddreg [dreg:$0x12];
	[sflag:s8] =	ssyncadd.s32 $0xFFFF3800  }
0x84: {  	[tilespmem:s14], [sflag:$0x5] =	stream.linear.gather [hbm4b:s0+s1], $0x640, $0x38;
	[tilespmem:$0x1DC80] =	vst v63  }
0x85: {  	_ =	swait.ge [sflag:s11], $0x640  }
0x86: {  	[sflag:s11] =	ssyncset.done $0x0  }
0x87: {  	[sflag:s11] =	ssyncadd.s32 $0xFFFFF9C0  }
0x88: {  	[tilespmem:s6], [sflag:$0x2] =	stream.indirect.gather [spmem:s2], $0x20, s14, s12, $0xb8;
	[tilespmem:$0x1DC80] =	vst v63  }
0x89: {  	_ =	swait.ge [sflag:s13], $0xC800  }
0x8a: {  	[sflag:s13] =	ssyncset.done $0x0  }
0x8b: {  	s0 =	rddreg [dreg:$0x13];
	[sflag:s13] =	ssyncadd.s32 $0xFFFF3800  }
0x8c: {  	[hbm4b:s0+s1] =	stream.linear.scatter [tilespmem:s10], [sflag:$0x3], $0xC800, $0x38;
	[tilespmem:$0x1DC80] =	vst v63  }
0x8d: {  	_ =	swait.ge [sflag:s7], $0xC800  }
0x8e: {  	[sflag:s7] =	ssyncset.done $0x0  }
0x8f: {  	s0 =	rddreg [dreg:$0x14];
	[sflag:s7] =	ssyncadd.s32 $0xFFFF3800  }
0x90: {  	[tilespmem:s19], [sflag:$0x5] =	stream.linear.gather [hbm4b:s0+s1], $0x640, $0x38;
	[tilespmem:$0x1DC80] =	vst v63  }
0x91: {  	_ =	swait.ge [sflag:s11], $0x640  }
0x92: {  	[sflag:s11] =	ssyncset.done $0x0  }
0x93: {  	[sflag:s11] =	ssyncadd.s32 $0xFFFFF9C0  }
0x94: {  	[tilespmem:s10], [sflag:$0x1] =	stream.indirect.gather [spmem:s2], $0x20, s19, s12, $0xb8;
	[tilespmem:$0x1DC80] =	vst v63  }
0x95: {  	_ =	swait.ge [sflag:s15], $0xC800  }
0x96: {  	[sflag:s15] =	ssyncset.done $0x0  }
0x97: {  	s0 =	rddreg [dreg:$0x15];
	[sflag:s15] =	ssyncadd.s32 $0xFFFF3800  }
0x98: {  	[hbm4b:s0+s1] =	stream.linear.scatter [tilespmem:s6], [sflag:$0x4], $0xC800, $0x38;
	[tilespmem:$0x1DC80] =	vst v63  }
0x99: {  	_ =	swait.ge [sflag:s8], $0xC800  }
0x9a: {  	[sflag:s8] =	ssyncset.done $0x0  }
0x9b: {  	s0 =	rddreg [dreg:$0x16];
	[sflag:s8] =	ssyncadd.s32 $0xFFFF3800  }
0x9c: {  	[tilespmem:s14], [sflag:$0x5] =	stream.linear.gather [hbm4b:s0+s1], $0x640, $0x38;
	[tilespmem:$0x1DC80] =	vst v63  }
0x9d: {  	_ =	swait.ge [sflag:s11], $0x640  }
0x9e: {  	[sflag:s11] =	ssyncset.done $0x0  }
0x9f: {  	[sflag:s11] =	ssyncadd.s32 $0xFFFFF9C0  }
0xa0: {  	[tilespmem:s6], [sflag:$0x2] =	stream.indirect.gather [spmem:s2], $0x20, s14, s12, $0xb8;
	[tilespmem:$0x1DC80] =	vst v63  }
0xa1: {  	_ =	swait.ge [sflag:s13], $0xC800  }
0xa2: {  	[sflag:s13] =	ssyncset.done $0x0  }
0xa3: {  	[sflag:s13] =	ssyncadd.s32 $0xFFFF3800  }
0xa4: {  	[hbm4b:s26+s1] =	stream.linear.scatter [tilespmem:s10], [sflag:$0x3], $0xC800, $0x38;
	[tilespmem:$0x1DC80] =	vst v63  }
0xa5: {  	_ =	swait.ge [sflag:s7], $0xC800  }
0xa6: {  	[sflag:s7] =	ssyncset.done $0x0  }
0xa7: {  	[sflag:s7] =	ssyncadd.s32 $0xFFFF3800  }
0xa8: {  	[tilespmem:s19], [sflag:$0x5] =	stream.linear.gather [hbm4b:s25+s1], $0x640, $0x38;
	[tilespmem:$0x1DC80] =	vst v63  }
0xa9: {  	_ =	swait.ge [sflag:s11], $0x640  }
0xaa: {  	[sflag:s11] =	ssyncset.done $0x0  }
0xab: {  	[sflag:s11] =	ssyncadd.s32 $0xFFFFF9C0  }
0xac: {  	[tilespmem:s10], [sflag:$0x1] =	stream.indirect.gather [spmem:s2], $0x20, s19, s12, $0xb8;
	[tilespmem:$0x1DC80] =	vst v63  }
0xad: {  	_ =	swait.ge [sflag:s15], $0xC800  }
0xae: {  	[sflag:s15] =	ssyncset.done $0x0  }
0xaf: {  	[sflag:s15] =	ssyncadd.s32 $0xFFFF3800  }
0xb0: {  	[hbm4b:s23+s1] =	stream.linear.scatter [tilespmem:s6], [sflag:$0x4], $0xC800, $0x38;
	[tilespmem:$0x1DC80] =	vst v63  }
0xb1: {  	_ =	swait.ge [sflag:s8], $0xC800  }
0xb2: {  	[sflag:s8] =	ssyncset.done $0x0  }
0xb3: {  	[sflag:s8] =	ssyncadd.s32 $0xFFFF3800  }
0xb4: {  	[tilespmem:s14], [sflag:$0x5] =	stream.linear.gather [hbm4b:s24+s1], $0x640, $0x38;
	[tilespmem:$0x1DC80] =	vst v63  }
0xb5: {  	_ =	swait.ge [sflag:s11], $0x640  }
0xb6: {  	[sflag:s11] =	ssyncset.done $0x0  }
0xb7: {  	[sflag:s11] =	ssyncadd.s32 $0xFFFFF9C0  }
0xb8: {  	[tilespmem:s6], [sflag:$0x2] =	stream.indirect.gather [spmem:s2], $0x20, s14, s12, $0xb8;
	[tilespmem:$0x1DC80] =	vst v63  }
0xb9: {  	_ =	swait.ge [sflag:s13], $0xC800  }
0xba: {  	[sflag:s13] =	ssyncset.done $0x0  }
0xbb: {  	[sflag:s13] =	ssyncadd.s32 $0xFFFF3800  }
0xbc: {  	[hbm4b:s22+s1] =	stream.linear.scatter [tilespmem:s10], [sflag:$0x3], $0xC800, $0x38;
	[tilespmem:$0x1DC80] =	vst v63  }
0xbd: {  	_ =	swait.ge [sflag:s7], $0xC800  }
0xbe: {  	[sflag:s7] =	ssyncset.done $0x0  }
0xbf: {  	[sflag:s7] =	ssyncadd.s32 $0xFFFF3800  }
0xc0: {  	[tilespmem:s19], [sflag:$0x5] =	stream.linear.gather [hbm4b:s21+s1], $0x640, $0x38;
	[tilespmem:$0x1DC80] =	vst v63  }
0xc1: {  	_ =	swait.ge [sflag:s11], $0x640  }
0xc2: {  	[sflag:s11] =	ssyncset.done $0x0  }
0xc3: {  	[sflag:s11] =	ssyncadd.s32 $0xFFFFF9C0  }
0xc4: {  	[tilespmem:s10], [sflag:$0x1] =	stream.indirect.gather [spmem:s2], $0x20, s19, s12, $0xb8;
	[tilespmem:$0x1DC80] =	vst v63  }
0xc5: {  	_ =	swait.ge [sflag:s15], $0xC800  }
0xc6: {  	[sflag:s15] =	ssyncset.done $0x0  }
0xc7: {  	[sflag:s15] =	ssyncadd.s32 $0xFFFF3800  }
0xc8: {  	[hbm4b:s20+s1] =	stream.linear.scatter [tilespmem:s6], [sflag:$0x4], $0xC800, $0x38;
	[tilespmem:$0x1DC80] =	vst v63  }
0xc9: {  	_ =	swait.ge [sflag:s8], $0xC800  }
0xca: {  	[sflag:s8] =	ssyncset.done $0x0  }
0xcb: {  	[sflag:s8] =	ssyncadd.s32 $0xFFFF3800  }
0xcc: {  	[tilespmem:s14], [sflag:$0x5] =	stream.linear.gather [hbm4b:s18+s1], $0x640, $0x38;
	[tilespmem:$0x1DC80] =	vst v63  }
0xcd: {  	_ =	swait.ge [sflag:s11], $0x640  }
0xce: {  	[sflag:s11] =	ssyncset.done $0x0  }
0xcf: {  	[sflag:s11] =	ssyncadd.s32 $0xFFFFF9C0  }
0xd0: {  	[tilespmem:s6], [sflag:$0x2] =	stream.indirect.gather [spmem:s2], $0x20, s14, s12, $0xb8;
	[tilespmem:$0x1DC80] =	vst v63  }
0xd1: {  	_ =	swait.ge [sflag:s13], $0xC800  }
0xd2: {  	[sflag:s13] =	ssyncset.done $0x0  }
0xd3: {  	[sflag:s13] =	ssyncadd.s32 $0xFFFF3800  }
0xd4: {  	[hbm4b:s16+s1] =	stream.linear.scatter [tilespmem:s10], [sflag:$0x3], $0xC800, $0x38;
	[tilespmem:$0x1DC80] =	vst v63  }
0xd5: {  	_ =	swait.ge [sflag:s7], $0xC800  }
0xd6: {  	[sflag:s7] =	ssyncset.done $0x0  }
0xd7: {  	[sflag:s7] =	ssyncadd.s32 $0xFFFF3800  }
0xd8: {  	[tilespmem:s19], [sflag:$0x5] =	stream.linear.gather [hbm4b:s17+s1], $0x640, $0x38;
	[tilespmem:$0x1DC80] =	vst v63  }
0xd9: {  	_ =	swait.ge [sflag:s11], $0x640  }
0xda: {  	[sflag:s11] =	ssyncset.done $0x0  }
0xdb: {  	[sflag:s11] =	ssyncadd.s32 $0xFFFFF9C0  }
0xdc: {  	[tilespmem:s10], [sflag:$0x1] =	stream.indirect.gather [spmem:s2], $0x20, s19, s12, $0xb8;
	[tilespmem:$0x1DC80] =	vst v63  }
0xdd: {  	_ =	swait.ge [sflag:s15], $0xC800  }
0xde: {  	[sflag:s15] =	ssyncset.done $0x0  }
0xdf: {  	[sflag:s15] =	ssyncadd.s32 $0xFFFF3800  }
0xe0: {  	[hbm4b:s9+s1] =	stream.linear.scatter [tilespmem:s6], [sflag:$0x4], $0xC800, $0x38;
	[tilespmem:$0x1DC80] =	vst v63  }
0xe1: {  	_ =	swait.ge [sflag:s8], $0xC800  }
0xe2: {  	[sflag:s8] =	ssyncset.done $0x0  }
0xe3: {  	[sflag:s8] =	ssyncadd.s32 $0xFFFF3800  }
0xe4: {  	[tilespmem:s14], [sflag:$0x5] =	stream.linear.gather [hbm4b:s5+s1], $0x640, $0x38;
	[tilespmem:$0x1DC80] =	vst v63  }
0xe5: {  	_ =	swait.ge [sflag:s11], $0x640  }
0xe6: {  	[sflag:s11] =	ssyncset.done $0x0  }
0xe7: {  	[sflag:s11] =	ssyncadd.s32 $0xFFFFF9C0  }
0xe8: {  	[tilespmem:s6], [sflag:$0x2] =	stream.indirect.gather [spmem:s2], $0x20, s14, s12, $0xb8;
	[tilespmem:$0x1DC80] =	vst v63  }
0xe9: {  	_ =	swait.ge [sflag:s13], $0xC800  }
0xea: {  	[sflag:s13] =	ssyncset.done $0x0  }
0xeb: {  	[sflag:s13] =	ssyncadd.s32 $0xFFFF3800  }
0xec: {  	[hbm4b:s4+s1] =	stream.linear.scatter [tilespmem:s10], [sflag:$0x3], $0xC800, $0x38;
	[tilespmem:$0x1DC80] =	vst v63  }
0xed: {  	_ =	swait.ge [sflag:s15], $0xC800  }
0xee: {  	s31 =	sadd.s32 $0xFFFFFFFF, s31;
	[sflag:s15] =	ssyncset.done $0x0  }
0xef: {  	p2 =	sne.s32 s31, $0x0;
	[sflag:s15] =	ssyncadd.s32 $0xFFFF3800  }
0xf0: {  	[hbm4b:s3+s1] =	stream.linear.scatter [tilespmem:s6], [sflag:$0x4], $0xC800, $0x38;
	[tilespmem:$0x1DC80] =	vst v63  }
.Ltmp1:
0xf1: {  	_ =	swait.ge [sflag:s7], $0xC800;
	(pc) =	sbr.rel @!p2 .LBB2_2-.Ltmp1, $4  }
0xf2: {  	[sflag:s7] =	ssyncset.done $0x0  }
0xf3: {  	[sflag:s7] =	ssyncadd.s32 $0xFFFF3800  }
0xf4: {  	_ =	swait.ge [sflag:s8], $0xC800  }
0xf5: {  	p1 =	por $0x1, $0x1;
	[sflag:s8] =	ssyncset.done $0x0  }
.LBB2_3:
0xf6: {  	s0 =	rddreg [dreg:$0x4];
	[sflag:s8] =	ssyncadd.s32 $0xFFFF3800  }
0xf7: {  	[spmem:s28], [sflag:s29] =	dma.local @!p0 [hbm:s0], $0x8000  }
0xf8: {  	_ =	swait.ge @!p0 [sflag:s30], $0x8000  }
0xf9: {  	[sflag:s30] =	ssyncset.done @!p0 $0x0  }
0xfa: {  	[sflag:s30] =	ssyncadd.s32 @!p0 $0xFFFF8000  }
0xfb: {  	[bflag:$0x0] =	sbarrier.arrive $0xFFFF  }
0xfc: {  	s0 =	rddreg [dreg:$0x5]  }
0xfd: {  	[tilespmem:s19], [sflag:$0x5] =	stream.linear.gather [hbm4b:s0+s1], $0x640, $0x38;
	[tilespmem:$0x1DC80] =	vst v63  }
0xfe: {  	_ =	swait.ge [sflag:s11], $0x640  }
0xff: {  	[sflag:s11] =	ssyncset.done $0x0  }
0x100: {  	[sflag:s11] =	ssyncadd.s32 $0xFFFFF9C0  }
0x101: {  	[tilespmem:s10], [sflag:$0x1] =	stream.indirect.gather [spmem:s2], $0x20, s19, s12, $0xb8;
	[tilespmem:$0x1DC80] =	vst v63  }
0x102: {  	s0 =	rddreg [dreg:$0x6]  }
0x103: {  	[tilespmem:s14], [sflag:$0x5] =	stream.linear.gather [hbm4b:s0+s1], $0x640, $0x38;
	[tilespmem:$0x1DC80] =	vst v63  }
0x104: {  	_ =	swait.ge [sflag:s11], $0x640  }
0x105: {  	[sflag:s11] =	ssyncset.done $0x0  }
0x106: {  	[sflag:s11] =	ssyncadd.s32 $0xFFFFF9C0  }
0x107: {  	[tilespmem:s6], [sflag:$0x2] =	stream.indirect.gather [spmem:s2], $0x20, s14, s12, $0xb8;
	[tilespmem:$0x1DC80] =	vst v63  }
0x108: {  	_ =	swait.ge [sflag:s13], $0xC800  }
0x109: {  	[sflag:s13] =	ssyncset.done $0x0  }
0x10a: {  	s0 =	rddreg [dreg:$0x7];
	[sflag:s13] =	ssyncadd.s32 $0xFFFF3800  }
0x10b: {  	[hbm4b:s0+s1] =	stream.linear.scatter [tilespmem:s10], [sflag:$0x3], $0xC800, $0x38;
	[tilespmem:$0x1DC80] =	vst v63  }
0x10c: {  	_ =	swait.ge [sflag:s7], $0xC800  }
0x10d: {  	[sflag:s7] =	ssyncset.done $0x0  }
0x10e: {  	s0 =	rddreg [dreg:$0x8];
	[sflag:s7] =	ssyncadd.s32 $0xFFFF3800  }
0x10f: {  	[tilespmem:s19], [sflag:$0x5] =	stream.linear.gather [hbm4b:s0+s1], $0x640, $0x38;
	[tilespmem:$0x1DC80] =	vst v63  }
0x110: {  	_ =	swait.ge [sflag:s11], $0x640  }
0x111: {  	[sflag:s11] =	ssyncset.done $0x0  }
0x112: {  	[sflag:s11] =	ssyncadd.s32 $0xFFFFF9C0  }
0x113: {  	[tilespmem:s10], [sflag:$0x1] =	stream.indirect.gather [spmem:s2], $0x20, s19, s12, $0xb8;
	[tilespmem:$0x1DC80] =	vst v63  }
0x114: {  	_ =	swait.ge [sflag:s15], $0xC800  }
0x115: {  	[sflag:s15] =	ssyncset.done $0x0  }
0x116: {  	s0 =	rddreg [dreg:$0x9];
	[sflag:s15] =	ssyncadd.s32 $0xFFFF3800  }
0x117: {  	[hbm4b:s0+s1] =	stream.linear.scatter [tilespmem:s6], [sflag:$0x4], $0xC800, $0x38;
	[tilespmem:$0x1DC80] =	vst v63  }
0x118: {  	_ =	swait.ge [sflag:s8], $0xC800  }
0x119: {  	[sflag:s8] =	ssyncset.done $0x0  }
0x11a: {  	s0 =	rddreg [dreg:$0xa];
	[sflag:s8] =	ssyncadd.s32 $0xFFFF3800  }
0x11b: {  	[tilespmem:s14], [sflag:$0x5] =	stream.linear.gather [hbm4b:s0+s1], $0x640, $0x38;
	[tilespmem:$0x1DC80] =	vst v63  }
0x11c: {  	_ =	swait.ge [sflag:s11], $0x640  }
0x11d: {  	[sflag:s11] =	ssyncset.done $0x0  }
0x11e: {  	[sflag:s11] =	ssyncadd.s32 $0xFFFFF9C0  }
0x11f: {  	[tilespmem:s6], [sflag:$0x2] =	stream.indirect.gather [spmem:s2], $0x20, s14, s12, $0xb8;
	[tilespmem:$0x1DC80] =	vst v63  }
0x120: {  	_ =	swait.ge [sflag:s13], $0xC800  }
0x121: {  	[sflag:s13] =	ssyncset.done $0x0  }
0x122: {  	s0 =	rddreg [dreg:$0xb];
	[sflag:s13] =	ssyncadd.s32 $0xFFFF3800  }
0x123: {  	[hbm4b:s0+s1] =	stream.linear.scatter [tilespmem:s10], [sflag:$0x3], $0xC800, $0x38;
	[tilespmem:$0x1DC80] =	vst v63  }
0x124: {  	_ =	swait.ge [sflag:s7], $0xC800  }
0x125: {  	[sflag:s7] =	ssyncset.done $0x0  }
0x126: {  	s0 =	rddreg [dreg:$0xc];
	[sflag:s7] =	ssyncadd.s32 $0xFFFF3800  }
0x127: {  	[tilespmem:s19], [sflag:$0x5] =	stream.linear.gather [hbm4b:s0+s1], $0x640, $0x38;
	[tilespmem:$0x1DC80] =	vst v63  }
0x128: {  	_ =	swait.ge [sflag:s11], $0x640  }
0x129: {  	[sflag:s11] =	ssyncset.done $0x0  }
0x12a: {  	[sflag:s11] =	ssyncadd.s32 $0xFFFFF9C0  }
0x12b: {  	[tilespmem:s10], [sflag:$0x1] =	stream.indirect.gather [spmem:s2], $0x20, s19, s12, $0xb8;
	[tilespmem:$0x1DC80] =	vst v63  }
0x12c: {  	_ =	swait.ge [sflag:s15], $0xC800  }
0x12d: {  	[sflag:s15] =	ssyncset.done $0x0  }
0x12e: {  	s0 =	rddreg [dreg:$0xd];
	[sflag:s15] =	ssyncadd.s32 $0xFFFF3800  }
0x12f: {  	[hbm4b:s0+s1] =	stream.linear.scatter [tilespmem:s6], [sflag:$0x4], $0xC800, $0x38;
	[tilespmem:$0x1DC80] =	vst v63  }
0x130: {  	_ =	swait.ge [sflag:s8], $0xC800  }
0x131: {  	[sflag:s8] =	ssyncset.done $0x0  }
0x132: {  	s0 =	rddreg [dreg:$0xe];
	[sflag:s8] =	ssyncadd.s32 $0xFFFF3800  }
0x133: {  	[tilespmem:s14], [sflag:$0x5] =	stream.linear.gather [hbm4b:s0+s1], $0x640, $0x38;
	[tilespmem:$0x1DC80] =	vst v63  }
0x134: {  	_ =	swait.ge [sflag:s11], $0x640  }
0x135: {  	[sflag:s11] =	ssyncset.done $0x0  }
0x136: {  	[sflag:s11] =	ssyncadd.s32 $0xFFFFF9C0  }
0x137: {  	[tilespmem:s6], [sflag:$0x2] =	stream.indirect.gather [spmem:s2], $0x20, s14, s12, $0xb8;
	[tilespmem:$0x1DC80] =	vst v63  }
0x138: {  	_ =	swait.ge [sflag:s13], $0xC800  }
0x139: {  	[sflag:s13] =	ssyncset.done $0x0  }
0x13a: {  	s0 =	rddreg [dreg:$0xf];
	[sflag:s13] =	ssyncadd.s32 $0xFFFF3800  }
0x13b: {  	[hbm4b:s0+s1] =	stream.linear.scatter [tilespmem:s10], [sflag:$0x3], $0xC800, $0x38;
	[tilespmem:$0x1DC80] =	vst v63  }
0x13c: {  	_ =	swait.ge [sflag:s7], $0xC800  }
0x13d: {  	[sflag:s7] =	ssyncset.done $0x0  }
0x13e: {  	s0 =	rddreg [dreg:$0x10];
	[sflag:s7] =	ssyncadd.s32 $0xFFFF3800  }
0x13f: {  	[tilespmem:s19], [sflag:$0x5] =	stream.linear.gather [hbm4b:s0+s1], $0x640, $0x38;
	[tilespmem:$0x1DC80] =	vst v63  }
0x140: {  	_ =	swait.ge [sflag:s11], $0x640  }
0x141: {  	[sflag:s11] =	ssyncset.done $0x0  }
0x142: {  	[sflag:s11] =	ssyncadd.s32 $0xFFFFF9C0  }
0x143: {  	[tilespmem:s10], [sflag:$0x1] =	stream.indirect.gather [spmem:s2], $0x20, s19, s12, $0xb8;
	[tilespmem:$0x1DC80] =	vst v63  }
0x144: {  	_ =	swait.ge [sflag:s15], $0xC800  }
0x145: {  	[sflag:s15] =	ssyncset.done $0x0  }
0x146: {  	s0 =	rddreg [dreg:$0x11];
	[sflag:s15] =	ssyncadd.s32 $0xFFFF3800  }
0x147: {  	[hbm4b:s0+s1] =	stream.linear.scatter [tilespmem:s6], [sflag:$0x4], $0xC800, $0x38;
	[tilespmem:$0x1DC80] =	vst v63  }
0x148: {  	_ =	swait.ge [sflag:s8], $0xC800  }
0x149: {  	[sflag:s8] =	ssyncset.done $0x0  }
0x14a: {  	s0 =	rddreg [dreg:$0x12];
	[sflag:s8] =	ssyncadd.s32 $0xFFFF3800  }
0x14b: {  	[tilespmem:s14], [sflag:$0x5] =	stream.linear.gather [hbm4b:s0+s1], $0x640, $0x38;
	[tilespmem:$0x1DC80] =	vst v63  }
0x14c: {  	_ =	swait.ge [sflag:s11], $0x640  }
0x14d: {  	[sflag:s11] =	ssyncset.done $0x0  }
0x14e: {  	[sflag:s11] =	ssyncadd.s32 $0xFFFFF9C0  }
0x14f: {  	[tilespmem:s6], [sflag:$0x2] =	stream.indirect.gather [spmem:s2], $0x20, s14, s12, $0xb8;
	[tilespmem:$0x1DC80] =	vst v63  }
0x150: {  	_ =	swait.ge [sflag:s13], $0xC800  }
0x151: {  	[sflag:s13] =	ssyncset.done $0x0  }
0x152: {  	s0 =	rddreg [dreg:$0x13];
	[sflag:s13] =	ssyncadd.s32 $0xFFFF3800  }
0x153: {  	[hbm4b:s0+s1] =	stream.linear.scatter [tilespmem:s10], [sflag:$0x3], $0xC800, $0x38;
	[tilespmem:$0x1DC80] =	vst v63  }
0x154: {  	_ =	swait.ge [sflag:s7], $0xC800  }
0x155: {  	[sflag:s7] =	ssyncset.done $0x0  }
0x156: {  	s0 =	rddreg [dreg:$0x14];
	[sflag:s7] =	ssyncadd.s32 $0xFFFF3800  }
0x157: {  	[tilespmem:s19], [sflag:$0x5] =	stream.linear.gather [hbm4b:s0+s1], $0x640, $0x38;
	[tilespmem:$0x1DC80] =	vst v63  }
0x158: {  	_ =	swait.ge [sflag:s11], $0x640  }
0x159: {  	[sflag:s11] =	ssyncset.done $0x0  }
0x15a: {  	[sflag:s11] =	ssyncadd.s32 $0xFFFFF9C0  }
0x15b: {  	[tilespmem:s10], [sflag:$0x1] =	stream.indirect.gather [spmem:s2], $0x20, s19, s12, $0xb8;
	[tilespmem:$0x1DC80] =	vst v63  }
0x15c: {  	_ =	swait.ge [sflag:s15], $0xC800  }
0x15d: {  	[sflag:s15] =	ssyncset.done $0x0  }
0x15e: {  	s0 =	rddreg [dreg:$0x15];
	[sflag:s15] =	ssyncadd.s32 $0xFFFF3800  }
0x15f: {  	[hbm4b:s0+s1] =	stream.linear.scatter [tilespmem:s6], [sflag:$0x4], $0xC800, $0x38;
	[tilespmem:$0x1DC80] =	vst v63  }
0x160: {  	_ =	swait.ge [sflag:s8], $0xC800  }
0x161: {  	[sflag:s8] =	ssyncset.done $0x0  }
0x162: {  	s0 =	rddreg [dreg:$0x16];
	[sflag:s8] =	ssyncadd.s32 $0xFFFF3800  }
0x163: {  	[tilespmem:s14], [sflag:$0x5] =	stream.linear.gather [hbm4b:s0+s1], $0x640, $0x38;
	[tilespmem:$0x1DC80] =	vst v63  }
0x164: {  	_ =	swait.ge [sflag:s11], $0x640  }
0x165: {  	[sflag:s11] =	ssyncset.done $0x0  }
0x166: {  	[sflag:s11] =	ssyncadd.s32 $0xFFFFF9C0  }
0x167: {  	[tilespmem:s6], [sflag:$0x2] =	stream.indirect.gather [spmem:s2], $0x20, s14, s12, $0xb8;
	[tilespmem:$0x1DC80] =	vst v63  }
0x168: {  	_ =	swait.ge [sflag:s13], $0xC800  }
0x169: {  	[sflag:s13] =	ssyncset.done $0x0  }
0x16a: {  	[sflag:s13] =	ssyncadd.s32 $0xFFFF3800  }
0x16b: {  	[hbm4b:s26+s1] =	stream.linear.scatter [tilespmem:s10], [sflag:$0x3], $0xC800, $0x38;
	[tilespmem:$0x1DC80] =	vst v63  }
0x16c: {  	_ =	swait.ge [sflag:s7], $0xC800  }
0x16d: {  	[sflag:s7] =	ssyncset.done $0x0  }
0x16e: {  	[sflag:s7] =	ssyncadd.s32 $0xFFFF3800  }
0x16f: {  	[tilespmem:s19], [sflag:$0x5] =	stream.linear.gather [hbm4b:s25+s1], $0x640, $0x38;
	[tilespmem:$0x1DC80] =	vst v63  }
0x170: {  	_ =	swait.ge [sflag:s11], $0x640  }
0x171: {  	[sflag:s11] =	ssyncset.done $0x0  }
0x172: {  	[sflag:s11] =	ssyncadd.s32 $0xFFFFF9C0  }
0x173: {  	[tilespmem:s10], [sflag:$0x1] =	stream.indirect.gather [spmem:s2], $0x20, s19, s12, $0xb8;
	[tilespmem:$0x1DC80] =	vst v63  }
0x174: {  	_ =	swait.ge [sflag:s15], $0xC800  }
0x175: {  	[sflag:s15] =	ssyncset.done $0x0  }
0x176: {  	[sflag:s15] =	ssyncadd.s32 $0xFFFF3800  }
0x177: {  	[hbm4b:s23+s1] =	stream.linear.scatter [tilespmem:s6], [sflag:$0x4], $0xC800, $0x38;
	[tilespmem:$0x1DC80] =	vst v63  }
0x178: {  	_ =	swait.ge [sflag:s8], $0xC800  }
0x179: {  	[sflag:s8] =	ssyncset.done $0x0  }
0x17a: {  	[sflag:s8] =	ssyncadd.s32 $0xFFFF3800  }
0x17b: {  	[tilespmem:s14], [sflag:$0x5] =	stream.linear.gather [hbm4b:s24+s1], $0x640, $0x38;
	[tilespmem:$0x1DC80] =	vst v63  }
0x17c: {  	_ =	swait.ge [sflag:s11], $0x640  }
0x17d: {  	[sflag:s11] =	ssyncset.done $0x0  }
0x17e: {  	[sflag:s11] =	ssyncadd.s32 $0xFFFFF9C0  }
0x17f: {  	[tilespmem:s6], [sflag:$0x2] =	stream.indirect.gather [spmem:s2], $0x20, s14, s12, $0xb8;
	[tilespmem:$0x1DC80] =	vst v63  }
0x180: {  	_ =	swait.ge [sflag:s13], $0xC800  }
0x181: {  	[sflag:s13] =	ssyncset.done $0x0  }
0x182: {  	[sflag:s13] =	ssyncadd.s32 $0xFFFF3800  }
0x183: {  	[hbm4b:s22+s1] =	stream.linear.scatter [tilespmem:s10], [sflag:$0x3], $0xC800, $0x38;
	[tilespmem:$0x1DC80] =	vst v63  }
0x184: {  	_ =	swait.ge [sflag:s7], $0xC800  }
0x185: {  	[sflag:s7] =	ssyncset.done $0x0  }
0x186: {  	[sflag:s7] =	ssyncadd.s32 $0xFFFF3800  }
0x187: {  	[tilespmem:s19], [sflag:$0x5] =	stream.linear.gather [hbm4b:s21+s1], $0x640, $0x38;
	[tilespmem:$0x1DC80] =	vst v63  }
0x188: {  	_ =	swait.ge [sflag:s11], $0x640  }
0x189: {  	[sflag:s11] =	ssyncset.done $0x0  }
0x18a: {  	[sflag:s11] =	ssyncadd.s32 $0xFFFFF9C0  }
0x18b: {  	[tilespmem:s10], [sflag:$0x1] =	stream.indirect.gather [spmem:s2], $0x20, s19, s12, $0xb8;
	[tilespmem:$0x1DC80] =	vst v63  }
0x18c: {  	_ =	swait.ge [sflag:s15], $0xC800  }
0x18d: {  	[sflag:s15] =	ssyncset.done $0x0  }
0x18e: {  	[sflag:s15] =	ssyncadd.s32 $0xFFFF3800  }
0x18f: {  	[hbm4b:s20+s1] =	stream.linear.scatter [tilespmem:s6], [sflag:$0x4], $0xC800, $0x38;
	[tilespmem:$0x1DC80] =	vst v63  }
0x190: {  	_ =	swait.ge [sflag:s8], $0xC800  }
0x191: {  	[sflag:s8] =	ssyncset.done $0x0  }
0x192: {  	[sflag:s8] =	ssyncadd.s32 $0xFFFF3800  }
0x193: {  	[tilespmem:s14], [sflag:$0x5] =	stream.linear.gather [hbm4b:s18+s1], $0x640, $0x38;
	[tilespmem:$0x1DC80] =	vst v63  }
0x194: {  	_ =	swait.ge [sflag:s11], $0x640  }
0x195: {  	[sflag:s11] =	ssyncset.done $0x0  }
0x196: {  	[sflag:s11] =	ssyncadd.s32 $0xFFFFF9C0  }
0x197: {  	[tilespmem:s6], [sflag:$0x2] =	stream.indirect.gather [spmem:s2], $0x20, s14, s12, $0xb8;
	[tilespmem:$0x1DC80] =	vst v63  }
0x198: {  	_ =	swait.ge [sflag:s13], $0xC800  }
0x199: {  	[sflag:s13] =	ssyncset.done $0x0  }
0x19a: {  	[sflag:s13] =	ssyncadd.s32 $0xFFFF3800  }
0x19b: {  	[hbm4b:s16+s1] =	stream.linear.scatter [tilespmem:s10], [sflag:$0x3], $0xC800, $0x38;
	[tilespmem:$0x1DC80] =	vst v63  }
0x19c: {  	_ =	swait.ge [sflag:s7], $0xC800  }
0x19d: {  	[sflag:s7] =	ssyncset.done $0x0  }
0x19e: {  	[sflag:s7] =	ssyncadd.s32 $0xFFFF3800  }
0x19f: {  	[tilespmem:s19], [sflag:$0x5] =	stream.linear.gather [hbm4b:s17+s1], $0x640, $0x38;
	[tilespmem:$0x1DC80] =	vst v63  }
0x1a0: {  	_ =	swait.ge [sflag:s11], $0x640  }
0x1a1: {  	[sflag:s11] =	ssyncset.done $0x0  }
0x1a2: {  	[sflag:s11] =	ssyncadd.s32 $0xFFFFF9C0  }
0x1a3: {  	[tilespmem:s10], [sflag:$0x1] =	stream.indirect.gather [spmem:s2], $0x20, s19, s12, $0xb8;
	[tilespmem:$0x1DC80] =	vst v63  }
0x1a4: {  	_ =	swait.ge [sflag:s15], $0xC800  }
0x1a5: {  	[sflag:s15] =	ssyncset.done $0x0  }
0x1a6: {  	[sflag:s15] =	ssyncadd.s32 $0xFFFF3800  }
0x1a7: {  	[hbm4b:s9+s1] =	stream.linear.scatter [tilespmem:s6], [sflag:$0x4], $0xC800, $0x38;
	[tilespmem:$0x1DC80] =	vst v63  }
0x1a8: {  	_ =	swait.ge [sflag:s8], $0xC800  }
0x1a9: {  	[sflag:s8] =	ssyncset.done $0x0  }
0x1aa: {  	[sflag:s8] =	ssyncadd.s32 $0xFFFF3800  }
0x1ab: {  	[tilespmem:s14], [sflag:$0x5] =	stream.linear.gather [hbm4b:s5+s1], $0x640, $0x38;
	[tilespmem:$0x1DC80] =	vst v63  }
0x1ac: {  	_ =	swait.ge [sflag:s11], $0x640  }
0x1ad: {  	[sflag:s11] =	ssyncset.done $0x0  }
0x1ae: {  	[sflag:s11] =	ssyncadd.s32 $0xFFFFF9C0  }
0x1af: {  	[tilespmem:s6], [sflag:$0x2] =	stream.indirect.gather [spmem:s2], $0x20, s14, s12, $0xb8;
	[tilespmem:$0x1DC80] =	vst v63  }
0x1b0: {  	_ =	swait.ge [sflag:s13], $0xC800  }
0x1b1: {  	[sflag:s13] =	ssyncset.done $0x0  }
0x1b2: {  	[sflag:s13] =	ssyncadd.s32 $0xFFFF3800  }
0x1b3: {  	[hbm4b:s4+s1] =	stream.linear.scatter [tilespmem:s10], [sflag:$0x3], $0xC800, $0x38;
	[tilespmem:$0x1DC80] =	vst v63  }
0x1b4: {  	_ =	swait.ge [sflag:s15], $0xC800  }
0x1b5: {  	s31 =	sadd.s32 $0xFFFFFFFF, s31;
	[sflag:s15] =	ssyncset.done $0x0  }
0x1b6: {  	p2 =	sne.s32 s31, $0x0;
	[sflag:s15] =	ssyncadd.s32 $0xFFFF3800  }
0x1b7: {  	[hbm4b:s3+s1] =	stream.linear.scatter [tilespmem:s6], [sflag:$0x4], $0xC800, $0x38;
	[tilespmem:$0x1DC80] =	vst v63  }
.Ltmp2:
0x1b8: {  	_ =	swait.ge [sflag:s7], $0xC800;
	(pc) =	sbr.rel @p2 .LBB2_3-.Ltmp2, $4  }
0x1b9: {  	[sflag:s7] =	ssyncset.done $0x0  }
0x1ba: {  	[sflag:s7] =	ssyncadd.s32 $0xFFFF3800  }
0x1bb: {  	_ =	swait.ge [sflag:s8], $0xC800  }
0x1bc: {  	[sflag:s8] =	ssyncset.done $0x0  }
0x1bd: {  	s30 =	rddreg [dreg:$0x3]  }
.LBB2_5:
0x1be: {  	s0 =	rddreg [dreg:$0x4];
	[sflag:s8] =	ssyncadd.s32 @p1 $0xFFFF3800;
	s29 =	simm.s32 @!p0 $0x1C05  }
0x1bf: {  	[spmem:s28], [sflag:s29] =	dma.local @!p0 [hbm:s0], $0x8000  }
0x1c0: {  	s0 =	simm.s32 @!p0 $0x5  }
0x1c1: {  	_ =	swait.ge @!p0 [sflag:s0], $0x8000  }
0x1c2: {  	[sflag:s0] =	ssyncset.done @!p0 $0x0  }
0x1c3: {  	[sflag:s0] =	ssyncadd.s32 @!p0 $0xFFFF8000  }
0x1c4: {  	[bflag:$0x0] =	sbarrier.arrive $0xFFFF  }
0x1c5: {  	s28 =	rddreg [dreg:$0x5]  }
0x1c6: {  	[tilespmem:s19], [sflag:$0x5] =	stream.linear.gather [hbm4b:s28+s1], $0x640, $0x38;
	[tilespmem:$0x1DC80] =	vst v63  }
0x1c7: {  	_ =	swait.ge [sflag:s11], $0x640  }
0x1c8: {  	[sflag:s11] =	ssyncset.done $0x0  }
0x1c9: {  	[sflag:s11] =	ssyncadd.s32 $0xFFFFF9C0  }
0x1ca: {  	[tilespmem:s10], [sflag:$0x1] =	stream.indirect.gather [spmem:s2], $0x20, s19, s12, $0xb8;
	[tilespmem:$0x1DC80] =	vst v63  }
0x1cb: {  	s29 =	rddreg [dreg:$0x6]  }
0x1cc: {  	[tilespmem:s14], [sflag:$0x5] =	stream.linear.gather [hbm4b:s29+s1], $0x640, $0x38;
	[tilespmem:$0x1DC80] =	vst v63  }
0x1cd: {  	_ =	swait.ge [sflag:s11], $0x640  }
0x1ce: {  	[sflag:s11] =	ssyncset.done $0x0  }
0x1cf: {  	[sflag:s11] =	ssyncadd.s32 $0xFFFFF9C0  }
0x1d0: {  	[tilespmem:s6], [sflag:$0x2] =	stream.indirect.gather [spmem:s2], $0x20, s14, s12, $0xb8;
	[tilespmem:$0x1DC80] =	vst v63  }
0x1d1: {  	_ =	swait.ge [sflag:s13], $0xC800  }
0x1d2: {  	[sflag:s13] =	ssyncset.done $0x0  }
0x1d3: {  	s31 =	rddreg [dreg:$0x7];
	[sflag:s13] =	ssyncadd.s32 $0xFFFF3800  }
0x1d4: {  	[hbm4b:s31+s1] =	stream.linear.scatter [tilespmem:s10], [sflag:$0x3], $0xC800, $0x38;
	[tilespmem:$0x1DC80] =	vst v63  }
0x1d5: {  	_ =	swait.ge [sflag:s7], $0xC800  }
0x1d6: {  	[sflag:s7] =	ssyncset.done $0x0  }
0x1d7: {  	s28 =	rddreg [dreg:$0x8];
	[sflag:s7] =	ssyncadd.s32 $0xFFFF3800  }
0x1d8: {  	[tilespmem:s19], [sflag:$0x5] =	stream.linear.gather [hbm4b:s28+s1], $0x640, $0x38;
	[tilespmem:$0x1DC80] =	vst v63  }
0x1d9: {  	_ =	swait.ge [sflag:s11], $0x640  }
0x1da: {  	[sflag:s11] =	ssyncset.done $0x0  }
0x1db: {  	[sflag:s11] =	ssyncadd.s32 $0xFFFFF9C0  }
0x1dc: {  	[tilespmem:s10], [sflag:$0x1] =	stream.indirect.gather [spmem:s2], $0x20, s19, s12, $0xb8;
	[tilespmem:$0x1DC80] =	vst v63  }
0x1dd: {  	_ =	swait.ge [sflag:s15], $0xC800  }
0x1de: {  	[sflag:s15] =	ssyncset.done $0x0  }
0x1df: {  	s29 =	rddreg [dreg:$0x9];
	[sflag:s15] =	ssyncadd.s32 $0xFFFF3800  }
0x1e0: {  	[hbm4b:s29+s1] =	stream.linear.scatter [tilespmem:s6], [sflag:$0x4], $0xC800, $0x38;
	[tilespmem:$0x1DC80] =	vst v63  }
0x1e1: {  	_ =	swait.ge [sflag:s8], $0xC800  }
0x1e2: {  	[sflag:s8] =	ssyncset.done $0x0  }
0x1e3: {  	s31 =	rddreg [dreg:$0xa];
	[sflag:s8] =	ssyncadd.s32 $0xFFFF3800  }
0x1e4: {  	[tilespmem:s14], [sflag:$0x5] =	stream.linear.gather [hbm4b:s31+s1], $0x640, $0x38;
	[tilespmem:$0x1DC80] =	vst v63  }
0x1e5: {  	_ =	swait.ge [sflag:s11], $0x640  }
0x1e6: {  	[sflag:s11] =	ssyncset.done $0x0  }
0x1e7: {  	[sflag:s11] =	ssyncadd.s32 $0xFFFFF9C0  }
0x1e8: {  	[tilespmem:s6], [sflag:$0x2] =	stream.indirect.gather [spmem:s2], $0x20, s14, s12, $0xb8;
	[tilespmem:$0x1DC80] =	vst v63  }
0x1e9: {  	_ =	swait.ge [sflag:s13], $0xC800  }
0x1ea: {  	[sflag:s13] =	ssyncset.done $0x0  }
0x1eb: {  	s28 =	rddreg [dreg:$0xb];
	[sflag:s13] =	ssyncadd.s32 $0xFFFF3800  }
0x1ec: {  	[hbm4b:s28+s1] =	stream.linear.scatter [tilespmem:s10], [sflag:$0x3], $0xC800, $0x38;
	[tilespmem:$0x1DC80] =	vst v63  }
0x1ed: {  	_ =	swait.ge [sflag:s7], $0xC800  }
0x1ee: {  	[sflag:s7] =	ssyncset.done $0x0  }
0x1ef: {  	s29 =	rddreg [dreg:$0xc];
	[sflag:s7] =	ssyncadd.s32 $0xFFFF3800  }
0x1f0: {  	[tilespmem:s19], [sflag:$0x5] =	stream.linear.gather [hbm4b:s29+s1], $0x640, $0x38;
	[tilespmem:$0x1DC80] =	vst v63  }
0x1f1: {  	_ =	swait.ge [sflag:s11], $0x640  }
0x1f2: {  	[sflag:s11] =	ssyncset.done $0x0  }
0x1f3: {  	[sflag:s11] =	ssyncadd.s32 $0xFFFFF9C0  }
0x1f4: {  	[tilespmem:s10], [sflag:$0x1] =	stream.indirect.gather [spmem:s2], $0x20, s19, s12, $0xb8;
	[tilespmem:$0x1DC80] =	vst v63  }
0x1f5: {  	_ =	swait.ge [sflag:s15], $0xC800  }
0x1f6: {  	[sflag:s15] =	ssyncset.done $0x0  }
0x1f7: {  	s31 =	rddreg [dreg:$0xd];
	[sflag:s15] =	ssyncadd.s32 $0xFFFF3800  }
0x1f8: {  	[hbm4b:s31+s1] =	stream.linear.scatter [tilespmem:s6], [sflag:$0x4], $0xC800, $0x38;
	[tilespmem:$0x1DC80] =	vst v63  }
0x1f9: {  	_ =	swait.ge [sflag:s8], $0xC800  }
0x1fa: {  	[sflag:s8] =	ssyncset.done $0x0  }
0x1fb: {  	s28 =	rddreg [dreg:$0xe];
	[sflag:s8] =	ssyncadd.s32 $0xFFFF3800  }
0x1fc: {  	[tilespmem:s14], [sflag:$0x5] =	stream.linear.gather [hbm4b:s28+s1], $0x640, $0x38;
	[tilespmem:$0x1DC80] =	vst v63  }
0x1fd: {  	_ =	swait.ge [sflag:s11], $0x640  }
0x1fe: {  	[sflag:s11] =	ssyncset.done $0x0  }
0x1ff: {  	[sflag:s11] =	ssyncadd.s32 $0xFFFFF9C0  }
0x200: {  	[tilespmem:s6], [sflag:$0x2] =	stream.indirect.gather [spmem:s2], $0x20, s14, s12, $0xb8;
	[tilespmem:$0x1DC80] =	vst v63  }
0x201: {  	_ =	swait.ge [sflag:s13], $0xC800  }
0x202: {  	[sflag:s13] =	ssyncset.done $0x0  }
0x203: {  	s29 =	rddreg [dreg:$0xf];
	[sflag:s13] =	ssyncadd.s32 $0xFFFF3800  }
0x204: {  	[hbm4b:s29+s1] =	stream.linear.scatter [tilespmem:s10], [sflag:$0x3], $0xC800, $0x38;
	[tilespmem:$0x1DC80] =	vst v63  }
0x205: {  	_ =	swait.ge [sflag:s7], $0xC800  }
0x206: {  	[sflag:s7] =	ssyncset.done $0x0  }
0x207: {  	s31 =	rddreg [dreg:$0x10];
	[sflag:s7] =	ssyncadd.s32 $0xFFFF3800  }
0x208: {  	[tilespmem:s19], [sflag:$0x5] =	stream.linear.gather [hbm4b:s31+s1], $0x640, $0x38;
	[tilespmem:$0x1DC80] =	vst v63  }
0x209: {  	_ =	swait.ge [sflag:s11], $0x640  }
0x20a: {  	[sflag:s11] =	ssyncset.done $0x0  }
0x20b: {  	[sflag:s11] =	ssyncadd.s32 $0xFFFFF9C0  }
0x20c: {  	[tilespmem:s10], [sflag:$0x1] =	stream.indirect.gather [spmem:s2], $0x20, s19, s12, $0xb8;
	[tilespmem:$0x1DC80] =	vst v63  }
0x20d: {  	_ =	swait.ge [sflag:s15], $0xC800  }
0x20e: {  	[sflag:s15] =	ssyncset.done $0x0  }
0x20f: {  	s28 =	rddreg [dreg:$0x11];
	[sflag:s15] =	ssyncadd.s32 $0xFFFF3800  }
0x210: {  	[hbm4b:s28+s1] =	stream.linear.scatter [tilespmem:s6], [sflag:$0x4], $0xC800, $0x38;
	[tilespmem:$0x1DC80] =	vst v63  }
0x211: {  	_ =	swait.ge [sflag:s8], $0xC800  }
0x212: {  	[sflag:s8] =	ssyncset.done $0x0  }
0x213: {  	s29 =	rddreg [dreg:$0x12];
	[sflag:s8] =	ssyncadd.s32 $0xFFFF3800  }
0x214: {  	[tilespmem:s14], [sflag:$0x5] =	stream.linear.gather [hbm4b:s29+s1], $0x640, $0x38;
	[tilespmem:$0x1DC80] =	vst v63  }
0x215: {  	_ =	swait.ge [sflag:s11], $0x640  }
0x216: {  	[sflag:s11] =	ssyncset.done $0x0  }
0x217: {  	[sflag:s11] =	ssyncadd.s32 $0xFFFFF9C0  }
0x218: {  	[tilespmem:s6], [sflag:$0x2] =	stream.indirect.gather [spmem:s2], $0x20, s14, s12, $0xb8;
	[tilespmem:$0x1DC80] =	vst v63  }
0x219: {  	_ =	swait.ge [sflag:s13], $0xC800  }
0x21a: {  	[sflag:s13] =	ssyncset.done $0x0  }
0x21b: {  	s31 =	rddreg [dreg:$0x13];
	[sflag:s13] =	ssyncadd.s32 $0xFFFF3800  }
0x21c: {  	[hbm4b:s31+s1] =	stream.linear.scatter [tilespmem:s10], [sflag:$0x3], $0xC800, $0x38;
	[tilespmem:$0x1DC80] =	vst v63  }
0x21d: {  	_ =	swait.ge [sflag:s7], $0xC800  }
0x21e: {  	[sflag:s7] =	ssyncset.done $0x0  }
0x21f: {  	s28 =	rddreg [dreg:$0x14];
	[sflag:s7] =	ssyncadd.s32 $0xFFFF3800  }
0x220: {  	[tilespmem:s19], [sflag:$0x5] =	stream.linear.gather [hbm4b:s28+s1], $0x640, $0x38;
	[tilespmem:$0x1DC80] =	vst v63  }
0x221: {  	_ =	swait.ge [sflag:s11], $0x640  }
0x222: {  	[sflag:s11] =	ssyncset.done $0x0  }
0x223: {  	[sflag:s11] =	ssyncadd.s32 $0xFFFFF9C0  }
0x224: {  	[tilespmem:s10], [sflag:$0x1] =	stream.indirect.gather [spmem:s2], $0x20, s19, s12, $0xb8;
	[tilespmem:$0x1DC80] =	vst v63  }
0x225: {  	_ =	swait.ge [sflag:s15], $0xC800  }
0x226: {  	[sflag:s15] =	ssyncset.done $0x0  }
0x227: {  	s29 =	rddreg [dreg:$0x15];
	[sflag:s15] =	ssyncadd.s32 $0xFFFF3800  }
0x228: {  	[hbm4b:s29+s1] =	stream.linear.scatter [tilespmem:s6], [sflag:$0x4], $0xC800, $0x38;
	[tilespmem:$0x1DC80] =	vst v63  }
0x229: {  	_ =	swait.ge [sflag:s8], $0xC800  }
0x22a: {  	[sflag:s8] =	ssyncset.done $0x0  }
0x22b: {  	s31 =	rddreg [dreg:$0x16];
	[sflag:s8] =	ssyncadd.s32 $0xFFFF3800  }
0x22c: {  	[tilespmem:s14], [sflag:$0x5] =	stream.linear.gather [hbm4b:s31+s1], $0x640, $0x38;
	[tilespmem:$0x1DC80] =	vst v63  }
0x22d: {  	_ =	swait.ge [sflag:s11], $0x640  }
0x22e: {  	[sflag:s11] =	ssyncset.done $0x0  }
0x22f: {  	[sflag:s11] =	ssyncadd.s32 $0xFFFFF9C0  }
0x230: {  	[tilespmem:s6], [sflag:$0x2] =	stream.indirect.gather [spmem:s2], $0x20, s14, s12, $0xb8;
	[tilespmem:$0x1DC80] =	vst v63  }
0x231: {  	_ =	swait.ge [sflag:s13], $0xC800  }
0x232: {  	[sflag:s13] =	ssyncset.done $0x0  }
0x233: {  	[sflag:s13] =	ssyncadd.s32 $0xFFFF3800  }
0x234: {  	[hbm4b:s26+s1] =	stream.linear.scatter [tilespmem:s10], [sflag:$0x3], $0xC800, $0x38;
	[tilespmem:$0x1DC80] =	vst v63  }
0x235: {  	_ =	swait.ge [sflag:s7], $0xC800  }
0x236: {  	[sflag:s7] =	ssyncset.done $0x0  }
0x237: {  	[sflag:s7] =	ssyncadd.s32 $0xFFFF3800  }
0x238: {  	[tilespmem:s19], [sflag:$0x5] =	stream.linear.gather [hbm4b:s25+s1], $0x640, $0x38;
	[tilespmem:$0x1DC80] =	vst v63  }
0x239: {  	_ =	swait.ge [sflag:s11], $0x640  }
0x23a: {  	[sflag:s11] =	ssyncset.done $0x0  }
0x23b: {  	[sflag:s11] =	ssyncadd.s32 $0xFFFFF9C0  }
0x23c: {  	[tilespmem:s10], [sflag:$0x1] =	stream.indirect.gather [spmem:s2], $0x20, s19, s12, $0xb8;
	[tilespmem:$0x1DC80] =	vst v63  }
0x23d: {  	_ =	swait.ge [sflag:s15], $0xC800  }
0x23e: {  	[sflag:s15] =	ssyncset.done $0x0  }
0x23f: {  	[sflag:s15] =	ssyncadd.s32 $0xFFFF3800  }
0x240: {  	[hbm4b:s23+s1] =	stream.linear.scatter [tilespmem:s6], [sflag:$0x4], $0xC800, $0x38;
	[tilespmem:$0x1DC80] =	vst v63  }
0x241: {  	_ =	swait.ge [sflag:s8], $0xC800  }
0x242: {  	[sflag:s8] =	ssyncset.done $0x0  }
0x243: {  	[sflag:s8] =	ssyncadd.s32 $0xFFFF3800  }
0x244: {  	[tilespmem:s14], [sflag:$0x5] =	stream.linear.gather [hbm4b:s24+s1], $0x640, $0x38;
	[tilespmem:$0x1DC80] =	vst v63  }
0x245: {  	_ =	swait.ge [sflag:s11], $0x640  }
0x246: {  	[sflag:s11] =	ssyncset.done $0x0  }
0x247: {  	[sflag:s11] =	ssyncadd.s32 $0xFFFFF9C0  }
0x248: {  	[tilespmem:s6], [sflag:$0x2] =	stream.indirect.gather [spmem:s2], $0x20, s14, s12, $0xb8;
	[tilespmem:$0x1DC80] =	vst v63  }
0x249: {  	_ =	swait.ge [sflag:s13], $0xC800  }
0x24a: {  	[sflag:s13] =	ssyncset.done $0x0  }
0x24b: {  	[sflag:s13] =	ssyncadd.s32 $0xFFFF3800  }
0x24c: {  	[hbm4b:s22+s1] =	stream.linear.scatter [tilespmem:s10], [sflag:$0x3], $0xC800, $0x38;
	[tilespmem:$0x1DC80] =	vst v63  }
0x24d: {  	_ =	swait.ge [sflag:s7], $0xC800  }
0x24e: {  	[sflag:s7] =	ssyncset.done $0x0  }
0x24f: {  	[sflag:s7] =	ssyncadd.s32 $0xFFFF3800  }
0x250: {  	[tilespmem:s19], [sflag:$0x5] =	stream.linear.gather [hbm4b:s21+s1], $0x640, $0x38;
	[tilespmem:$0x1DC80] =	vst v63  }
0x251: {  	_ =	swait.ge [sflag:s11], $0x640  }
0x252: {  	[sflag:s11] =	ssyncset.done $0x0  }
0x253: {  	[sflag:s11] =	ssyncadd.s32 $0xFFFFF9C0  }
0x254: {  	[tilespmem:s10], [sflag:$0x1] =	stream.indirect.gather [spmem:s2], $0x20, s19, s12, $0xb8;
	[tilespmem:$0x1DC80] =	vst v63  }
0x255: {  	_ =	swait.ge [sflag:s15], $0xC800  }
0x256: {  	[sflag:s15] =	ssyncset.done $0x0  }
0x257: {  	[sflag:s15] =	ssyncadd.s32 $0xFFFF3800  }
0x258: {  	[hbm4b:s20+s1] =	stream.linear.scatter [tilespmem:s6], [sflag:$0x4], $0xC800, $0x38;
	[tilespmem:$0x1DC80] =	vst v63  }
0x259: {  	_ =	swait.ge [sflag:s8], $0xC800  }
0x25a: {  	[sflag:s8] =	ssyncset.done $0x0  }
0x25b: {  	[sflag:s8] =	ssyncadd.s32 $0xFFFF3800  }
0x25c: {  	[tilespmem:s14], [sflag:$0x5] =	stream.linear.gather [hbm4b:s18+s1], $0x640, $0x38;
	[tilespmem:$0x1DC80] =	vst v63  }
0x25d: {  	_ =	swait.ge [sflag:s11], $0x640  }
0x25e: {  	[sflag:s11] =	ssyncset.done $0x0  }
0x25f: {  	[sflag:s11] =	ssyncadd.s32 $0xFFFFF9C0  }
0x260: {  	[tilespmem:s6], [sflag:$0x2] =	stream.indirect.gather [spmem:s2], $0x20, s14, s12, $0xb8;
	[tilespmem:$0x1DC80] =	vst v63  }
0x261: {  	_ =	swait.ge [sflag:s13], $0xC800  }
0x262: {  	[sflag:s13] =	ssyncset.done $0x0  }
0x263: {  	[sflag:s13] =	ssyncadd.s32 $0xFFFF3800  }
0x264: {  	[hbm4b:s16+s1] =	stream.linear.scatter [tilespmem:s10], [sflag:$0x3], $0xC800, $0x38;
	[tilespmem:$0x1DC80] =	vst v63  }
0x265: {  	_ =	swait.ge [sflag:s7], $0xC800  }
0x266: {  	[sflag:s7] =	ssyncset.done $0x0  }
0x267: {  	[sflag:s7] =	ssyncadd.s32 $0xFFFF3800  }
0x268: {  	[tilespmem:s19], [sflag:$0x5] =	stream.linear.gather [hbm4b:s17+s1], $0x640, $0x38;
	[tilespmem:$0x1DC80] =	vst v63  }
0x269: {  	_ =	swait.ge [sflag:s11], $0x640  }
0x26a: {  	[sflag:s11] =	ssyncset.done $0x0  }
0x26b: {  	[sflag:s11] =	ssyncadd.s32 $0xFFFFF9C0  }
0x26c: {  	[tilespmem:s10], [sflag:$0x1] =	stream.indirect.gather [spmem:s2], $0x20, s19, s12, $0xb8;
	[tilespmem:$0x1DC80] =	vst v63  }
0x26d: {  	_ =	swait.ge [sflag:s15], $0xC800  }
0x26e: {  	[sflag:s15] =	ssyncset.done $0x0  }
0x26f: {  	[sflag:s15] =	ssyncadd.s32 $0xFFFF3800  }
0x270: {  	[hbm4b:s9+s1] =	stream.linear.scatter [tilespmem:s6], [sflag:$0x4], $0xC800, $0x38;
	[tilespmem:$0x1DC80] =	vst v63  }
0x271: {  	_ =	swait.ge [sflag:s8], $0xC800  }
0x272: {  	[sflag:s8] =	ssyncset.done $0x0  }
0x273: {  	[sflag:s8] =	ssyncadd.s32 $0xFFFF3800  }
0x274: {  	[tilespmem:s14], [sflag:$0x5] =	stream.linear.gather [hbm4b:s5+s1], $0x640, $0x38;
	[tilespmem:$0x1DC80] =	vst v63  }
0x275: {  	_ =	swait.ge [sflag:s11], $0x640  }
0x276: {  	[sflag:s11] =	ssyncset.done $0x0  }
0x277: {  	[sflag:s11] =	ssyncadd.s32 $0xFFFFF9C0  }
0x278: {  	[tilespmem:s6], [sflag:$0x2] =	stream.indirect.gather [spmem:s2], $0x20, s14, s12, $0xb8;
	[tilespmem:$0x1DC80] =	vst v63  }
0x279: {  	_ =	swait.ge [sflag:s13], $0xC800  }
0x27a: {  	[sflag:s13] =	ssyncset.done $0x0  }
0x27b: {  	[sflag:s13] =	ssyncadd.s32 $0xFFFF3800  }
0x27c: {  	[hbm4b:s4+s1] =	stream.linear.scatter [tilespmem:s10], [sflag:$0x3], $0xC800, $0x38;
	[tilespmem:$0x1DC80] =	vst v63  }
0x27d: {  	_ =	swait.ge [sflag:s15], $0xC800  }
0x27e: {  	[sflag:s15] =	ssyncset.done $0x0  }
0x27f: {  	[sflag:s15] =	ssyncadd.s32 $0xFFFF3800  }
0x280: {  	[hbm4b:s3+s1] =	stream.linear.scatter [tilespmem:s6], [sflag:$0x4], $0xC800, $0x38;
	[tilespmem:$0x1DC80] =	vst v63  }
0x281: {  	_ =	swait.ge [sflag:s7], $0xC800  }
0x282: {  	[sflag:s7] =	ssyncset.done $0x0  }
0x283: {  	[sflag:s7] =	ssyncadd.s32 $0xFFFF3800  }
0x284: {  	_ =	swait.ge [sflag:s8], $0xC800  }
0x285: {  	[sflag:s8] =	ssyncset.done $0x0  }
0x286: {  	[sflag:s8] =	ssyncadd.s32 $0xFFFF3800  }
0x287: {  	_ =	sfence.sel $0x180000  }
0x288: {  	[bflag:$0x0] =	sbarrier.arrive $0xFFFF  }
0x289: {  	_ =	strace $0x90000047  }
0x28a: {  	s0 =	sadd.s32 @!p0 $0x100000, s30;
	[bflag:$0x2] =	sbarrier.arrive $0xFFFF  }
0x28b: {  	[sflag:s0] =	ssyncadd.tile.s32 @!p0 $0x1;
	_ =	shalt  }
.LBB2_2:
.Ltmp3:
0x28c: {  	(pc) =	sbr.rel .LBB2_5-.Ltmp3, $2  }
0x28d: {  	_ =	sdelay $0x2  }
0x28e: {  	s30 =	rddreg [dreg:$0x3]  }
.Lfunc_end2:
_tile_overlayer_lowered:
.L_overlay_start_2:
0x28f: {  	(tag) =	ssettag $0x2  }
0x290: {  	s0 =	rddreg [dreg:$0x0];
	s2 =	stileid.u32  }
0x291: {  	s1 =	rddreg [dreg:$0x1];
	p0 =	sne.s32 s2, $0x0  }
0x292: {  	s3 =	rddreg [dreg:$0x2];
	[bflag:$0x3] =	sbarrier.arrive $0xFFFF;
	s2 =	simm.s32 @!p0 $0x1C05  }
0x293: {  	[timem:s3], [sflag:s2] =	dma.local @!p0 [hbm:s0], s1  }
0x294: {  	s0 =	simm.s32 @!p0 $0x5  }
0x295: {  	_ =	swait.ge @!p0 [sflag:s0], s1  }
0x296: {  	s1 =	ssub.s32 @!p0 $0x0, s1;
	[sflag:s0] =	ssyncset.done @!p0 $0x0  }
0x297: {  	[sflag:s0] =	ssyncadd.s32 @!p0 s1  }
0x298: {  	[bflag:$0x3] =	sbarrier.arrive $0xFFFF  }
0x299: {  	_ =	shalt  }

// kernel: sparse-core-data-format-call.cloned.1.call-start
scs
called_computation_lowered:
.L_overlay_start_0:
0x0: {  	s2 =	sld [smem:$0x3FD9]  }
0x1: {  	s3 =	sld [smem:$0x3FFE];
	_ =	sdelay $0x1  }
0x2: {  	s1 =	srdreg.scid  }
0x3: {  	s0 =	sand.u32 $0x1, s1  }
0x4: {  	s18 =	sshll.u32 s0, $0xA;
	s2 =	sadd.s32 s3, s2  }
0x5: {  	s2 =	sadd.s32 s2, s18  }
0x6: {  	[smem:$0x3FC6] =	sst s2  }
0x7: {  	_ = 	snop  }
0x8: {  	s2 =	sld [smem:$0x3FD0];
	(tm) =	ssettm $0x1  }
0x9: {  	s19 =	sld [smem:$0x3FFB];
	_ =	sdelay $0x3  }
0xa: {  	_ =	strace s19  }
0xb: {  	s3 =	sld [smem:$0x3FFC];
	_ =	sdelay $0x3  }
0xc: {  	_ =	strace s3  }
0xd: {  	s3 =	sld [smem:$0x3FFD];
	_ =	sdelay $0x3  }
0xe: {  	_ =	strace s3  }
0xf: {  	_ =	strace $0x8FFFFFFF  }
0x10: {  	s20 =	sld [smem:$0x3FDB];
	_ =	sdelay $0x1  }
0x11: {  	s4 =	simm.s32 $_scs_section_size  }
0x12: {  	s5 =	simm.s32 $_size__tile_overlayer_lowered;
	s6 =	simm.s32 $_tile_overlayer_lowered  }
0x13: {  	s23 =	simm.s32 $0x1BFF;
	s22 =	sshll.u32 s6, $0x1;
	s3 =	sadd.s32 s4, s20  }
0x14: {  	s7 =	simm.s32 $0x0;
	s21 =	sshll.u32 s5, $0x1;
	s5 =	sadd.s32 s22, s3  }
0x15: {  	[timem:s7], [sflag:s23] =	dma.local [hbm:s5], s21  }
0x16: {  	_ =	swait.ge [sflag:s23], s21  }
0x17: {  	s4 =	ssub.s32 $0x0, s21;
	[sflag:s23] =	ssyncset.done $0x0  }
0x18: {  	[sflag:s23] =	ssyncadd.s32 s4;
	_ =	sdelay $0x1  }
0x19: {  	s24 =	simm.s32 $0x1B8B  }
0x1a: {  	_ =	swait.ge [sflag:s24], $0x1  }
0x1b: {  	[sflag:s24] =	ssyncset.done $0x0  }
0x1c: {  	s26 =	simm.s32 $0x1B8E;
	s25 =	sld [smem:$0x3FFE];
	[sflag:s24] =	ssyncadd.s32 $0xFFFFFFFF  }
0x1d: {  	s27 =	simm.s32 $execute0_lowered;
	[smem:$0x3FD2] =	sst s26  }
0x1e: {  	s5 =	sshll.u32 s27, $0x1;
	_ =	strace $0x80000049;
	[dreg:$0x1] =	wrdreg $0xFFFFFFFF  }
0x1f: {  	s28 =	simm.s32 $_size_execute0_lowered;
	s3 =	sadd.s32 s3, s5;
	[dreg:$0x0] =	wrdreg $0x0  }
0x20: {  	s5 =	sshll.u32 s28, $0x1;
	[dreg:$0x2] =	wrdreg s3  }
0x21: {  	[dreg:$0x3] =	wrdreg s5  }
0x22: {  	[dreg:$0x4] =	wrdreg $0xC0  }
0x23: {  	_ =	task [dreg:s7], $0x5FFFF  }
0x24: {  	[dreg:$0x1] =	wrdreg $0xFFFFFFFF  }
0x25: {  	[dreg:$0x0] =	wrdreg $0x60  }
0x26: {  	[dreg:$0x2] =	wrdreg s25  }
0x27: {  	[dreg:$0x3] =	wrdreg s2  }
0x28: {  	[dreg:$0x4] =	wrdreg $0x9  }
0x29: {  	_ =	task.clear_ibuf [dreg:s7], $0x5FFFF;
	_ =	strace $0x90000049  }
0x2a: {  	s29 =	simm.s32 $0x9;
	_ =	strace $0x8000004B  }
0x2b: {  	_ =	swait.ge [sflag:s29], $0x1  }
0x2c: {  	[sflag:s29] =	ssyncadd.s32 $0xFFFFFFFF  }
0x2d: {  	_ =	strace $0x9000004B  }
0x2e: {  	_ =	sfence  }
0x2f: {  	s30 =	sld [smem:$0x0];
	_ =	sdelay $0x2  }
0x30: {  	s31 =	sshll.u32 s1, $0xD;
	s1 =	sshrl.u32 s1, $0x2  }
0x31: {  	s3 =	sand.u32 $0x4000, s31;
	s1 =	sadd.s32 s1, s30  }
0x32: {  	s0 =	sor.u32 s3, s0;
	s1 =	sshll.u32 s1, $0x11  }
0x33: {  	s0 =	sor.u32 s1, s0  }
0x34: {  	s0 =	sadd.s32 $0x8F2B, s0  }
0x35: {  	[sflag:s0] =	ssyncadd.remote.s32 $0x1  }
0x36: {  	_ =	sfence.sel $0xFFFF  }
0x37: {  	[dreg:$0x0] =	wrdreg $0xFFFFFFFF;
	(pc) =	sbr.abs _section_cstart, $3  }
0x38: {  	[dreg:$0x1] =	wrdreg $0xFFFFFFFF  }
0x39: {  	_ =	task.clear_ibuf [dreg:s7], $0x2FFFF;
	_ =	strace $0x9FFFFFFF  }
0x3a: {  	(tm) =	ssettm $0x7FFFFFFF  }
0x3b: {  	_ =	shalt  }
tec
execute0_lowered:
.L_overlay_start_1:
0x0: {  	(tag) =	ssettag $0x1  }
0x1: {  	s0 =	srdreg.scid  }
0x2: {  	s1 =	sshll.u32 s0, $0x4  }
0x3: {  	s0 =	stileid.u32;
	s1 =	sand.u32 $0x10, s1  }
0x4: {  	s1 =	sor.u32 s0, s1  }
0x5: {  	s6 =	rddreg [dreg:$0x0];
	s4 =	simm.s32 $0x1;
	s2 =	sshll.u32 s1, $0x7  }
0x6: {  	s7 =	simm.s32 $0x2;
	s12 =	simm.s32 $0x0;
	s1 =	ssub.s32 $0x1000, s2  }
0x7: {  	s8 =	simm.s32 $0x8000;
	s13 =	simm.s32 $0x0;
	s3 =	sand.u32 $0xF80, s1  }
0x8: {  	s9 =	simm.s32 $0x0;
	s5 =	sshrl.u32 s1, $0xC;
	p0 =	sne.s32 s3, $0x0  }
.Ltmp0:
0x9: {  	s1 =	rddreg [dreg:$0x2];
	s4 =	simm.s32 @!p0 $0x0;
	(pc) =	sbr.rel .LBB1_1-.Ltmp0, $4  }
0xa: {  	s11 =	simm.s32 $0x0;
	s3 =	rddreg [dreg:$0x1];
	s5 =	sadd.s32 s4, s5  }
0xb: {  	_ =	strace $0x8000004A;
	s4 =	simm.s32 $0x1;
	s5 =	smul.u32 $0xC8, s5  }
0xc: {  	s6 =	sadd.s32 $0xA00, s6;
	s10 =	smov.u32 s2;
	[sflag:s4] =	ssyncpa.u1 $0x0  }
0xd: {  	p0 =	por $0x0, $0x0;
	[sflag:s7] =	ssyncpa.u1 $0x0;
	s7 =	sor.u32 $0x1, s5  }
.LBB1_4:
0xe: {  	s16 =	sshll.u32 s13, $0x3;
	s17 =	sand.u32 $0x78, s13  }
0xf: {  	s30 =	sand.u32 $0x3E00, s13;
	s12 =	sshll.u32 s12, $0xE;
	s16 =	sand.u32 $0xC00, s16  }
0x10: {  	s31 =	sand.u32 $0x7, s13;
	s16 =	sor.u32 s17, s16;
	s17 =	sadd.s32 s3, s30  }
0x11: {  	s13 =	sshll.u32 s31, $0x12;
	s16 =	sshrl.u32 s16, $0x3;
	s12 =	sadd.s32 s12, s17  }
0x12: {  	[tilespmem:s15+$0x0 ss:$0x81] =	vst.msk $0xffff, v0;
	s13 =	sor.u32 $0x400, s13;
	s12 =	sadd.s32 s16, s12  }
0x13: {  	[hbm4b:s12+s13] =	stream.strided.scatter [tilespmem:s14], [sflag:$0x2], $0x1000, s8, s13, $0x20;
	[tilespmem:$0x4040] =	vst v63  }
.LBB1_5:
0x14: {  	s14 =	sadd.s32 $0x1, s9  }
0x15: {  	s12 =	sadd.s32 $0x1000, s10;
	s16 =	smov.u32 s10;
	p2 =	sgt.s32 s14, $0xC7  }
0x16: {  	s16 =	smov.u32 @p2 s12  }
0x17: {  	s14 =	simm.s32 @p2 $0x0;
	p2 =	sgt.s32 s16, $0xFFF  }
0x18: {  	s16 =	smov.u32 @p2 s2;
	p2 =	sne.s32 s11, s7  }
.Ltmp1:
0x19: {  	p1 =	slt.u32 s11, $0x2;
	(pc) =	sbr.rel @!p2 .LBB1_6-.Ltmp1, $4  }
0x1a: {  	s15 =	simm.s32 @!p1 $0x2  }
0x1b: {  	s13 =	smov.u32 s10;
	p0 =	por !p0, !p0;
	_ =	swait.ge @!p1 [sflag:s15], $0x1000  }
0x1c: {  	s12 =	smov.u32 s9;
	[sflag:s15] =	ssyncset.done @!p1 $0x0;
	s9 =	smov.u32 s14  }
0x1d: {  	s11 =	sadd.s32 $0x1, s11;
	[sflag:s15] =	ssyncadd.s32 @!p1 $0xFFFFF000;
	s10 =	smov.u32 s16  }
.LBB1_1:
0x1e: {  	p1 =	sge.u32 s11, s5  }
0x1f: {  	s14 =	sand.u32 @!p1 $0x1FFFFFF, s9  }
0x20: {  	s15 =	smulhi.u32 @!p1 $0x147AE15, s14;
	_ =	sdelay $0x1  }
0x21: {  	s15 =	smul.u32 @!p1 $0xC8, s15  }
0x22: {  	s16 =	sxor.u32 @!p1 $0xFFFFFFFF, s11;
	s17 =	smul.u32 @!p1 $0xC80, s10  }
0x23: {  	s31 =	sadd.s32 $0xFFFFFFFF, s11;
	s16 =	sshll.u32 @!p1 s16, $0xC;
	s14 =	ssub.s32 @!p1 s14, s15  }
0x24: {  	s15 =	sand.u32 @!p1 $0x1000, s16;
	s16 =	sadd.s32 @!p1 s6, s17;
	s14 =	sshll.u32 @!p1 s14, $0x4  }
0x25: {  	s17 =	simm.s32 @!p1 $0x6400;
	s14 =	sadd.s32 @!p1 s14, s16;
	s16 =	simm.s32 @!p1 $0x20  }
0x26: {  	[tilespmem:s15], [sflag:$0x1] =	stream.strided.gather @!p1 [hbm4b:s14+s16], $0x1000, s17, s16, $0x38;
	[tilespmem:$0x4040] =	vst v63  }
0x27: {  	p1 =	sge.u32 s31, s5  }
.Ltmp2:
0x28: {  	_ = 	snop;
	(pc) =	sbr.rel @p1 .LBB1_5-.Ltmp2, $1  }
0x29: {  	_ =	sdelay $0x3  }
0x2a: {  	s14 =	simm.s32 $0x1  }
0x2b: {  	_ =	swait.ge [sflag:s4], $0x1000;
	s14 =	simm.s32 @!p0 $0x0  }
0x2c: {  	[sflag:s4] =	ssyncset.done $0x0;
	s15 =	sshll.u32 s14, $0xC  }
0x2d: {  	[sflag:s4] =	ssyncadd.s32 $0xFFFFF000;
	s18 =	sor.u32 $0x10, s15  }
0x2e: {  	s14 =	smul.u32 $0x4080, s14;
	v1 =	vld [tilespmem:s18+$0x0]  }
0x2f: {  	s30 =	sand.u32 $0x1, s11;
	v0 =	vld [tilespmem:s18+$0xFFFFFFF0]  }
0x30: {  	s15 =	smul.u32 $0x4080, s30;
	s14 =	sshrl.u32 s14, $0x2  }
0x31: {  	s16 =	sor.u32 $0x2000, s14  }
0x32: {  	s31 =	sshrl.u32 s15, $0x2;
	s15 =	sadd.s32 $0x0, s16  }
0x33: {  	s17 =	simm.s32 $0x4;
	s18 =	sadd.s32 $0x20, s18;
	s14 =	sor.u32 $0x2000, s31;
	[tilespmem:s15+$0x810 ss:$0x81] =	vst.msk $0xffff, v1  }
.LBB1_3:
0x34: {  	v1 =	vld [tilespmem:s18+$0x0];
	p1 =	sne.s32 s17, $0x1FC;
	[tilespmem:s15+$0x0 ss:$0x81] =	vst.msk $0xffff, v0;
	s15 =	smov.u32 s17;
	s17 =	sadd.s32 $0x4, s17  }
.Ltmp3:
0x35: {  	v0 =	vld [tilespmem:s18+$0xFFFFFFF0];
	(pc) =	sbr.rel @p1 .LBB1_3-.Ltmp3, $4  }
0x36: {  	_ = 	snop  }
0x37: {  	s15 =	sshra.s32 s15, $0x2  }
0x38: {  	s15 =	sadd.s32 s15, s16  }
0x39: {  	s18 =	sadd.s32 $0x20, s18;
	[tilespmem:s15+$0x810 ss:$0x81] =	vst.msk $0xffff, v1  }
.Ltmp4:
0x3a: {  	_ = 	snop;
	(pc) =	sbr.rel .LBB1_4-.Ltmp4, $1  }
0x3b: {  	_ =	sdelay $0x3  }
.LBB1_6:
0x3c: {  	_ =	sfence.sel $0x180000  }
0x3d: {  	s2 =	simm.s32 $0x1;
	[bflag:$0x0] =	sbarrier.arrive $0xFFFF  }
0x3e: {  	s31 =	simm.s32 $0x2;
	[sflag:s2] =	ssyncpa.u1 $0x1  }
0x3f: {  	[sflag:s31] =	ssyncpa.u1 $0x1  }
0x40: {  	p0 =	sne.s32 s0, $0x0;
	_ =	strace $0x9000004A  }
0x41: {  	s0 =	sadd.s32 @!p0 $0x100000, s1;
	[bflag:$0x2] =	sbarrier.arrive $0xFFFF  }
0x42: {  	[sflag:s0] =	ssyncadd.tile.s32 @!p0 $0x1;
	_ =	shalt  }
.Lfunc_end1:
_tile_overlayer_lowered:
.L_overlay_start_2:
0x43: {  	(tag) =	ssettag $0x2  }
0x44: {  	s0 =	rddreg [dreg:$0x0];
	s2 =	stileid.u32  }
0x45: {  	s1 =	rddreg [dreg:$0x1];
	p0 =	sne.s32 s2, $0x0  }
0x46: {  	s3 =	rddreg [dreg:$0x2];
	[bflag:$0x3] =	sbarrier.arrive $0xFFFF;
	s2 =	simm.s32 @!p0 $0x1C01  }
0x47: {  	[timem:s3], [sflag:s2] =	dma.local @!p0 [hbm:s0], s1  }
0x48: {  	s0 =	simm.s32 @!p0 $0x1  }
0x49: {  	_ =	swait.ge @!p0 [sflag:s0], s1  }
0x4a: {  	s1 =	ssub.s32 @!p0 $0x0, s1;
	[sflag:s0] =	ssyncset.done @!p0 $0x0  }
0x4b: {  	[sflag:s0] =	ssyncadd.s32 @!p0 s1  }
0x4c: {  	[bflag:$0x3] =	sbarrier.arrive $0xFFFF  }
0x4d: {  	_ =	shalt  }

</sc_bundles>
